<compile_context>
chip_gen: v7x
topology: tpu7x:2x2x1
jax: 0.10.2.dev20260603
libtpu: 0.0.44.dev20260713+nightly
codegen_flags: <defaults>
</compile_context>

<pallas_src>
import functools

import jax
import jax.numpy as jnp
from jax import lax
from jax.experimental import pallas as pl
from jax.experimental.pallas import tpu as pltpu
from jax.experimental.pallas import tpu_sc as plsc

_NT = 4
_V = 100000
_D = 64
_BT = 150000
_TOTAL = _NT * _BT

_NW = 32
_SUB = 64
_KS = 15
_CH = _SUB * _KS
_NCHUNKS = _TOTAL // _CH
_KMAX = (_NCHUNKS + _NW - 1) // _NW

_mesh = plsc.VectorSubcoreMesh(core_axis_name="c", subcore_axis_name="s")


@functools.partial(
    pl.kernel,
    mesh=_mesh,
    out_type=jax.ShapeDtypeStruct((_TOTAL, 2 * _D), jnp.float32),
    scratch_types=[
        pltpu.VMEM((_CH,), jnp.int32),
        pltpu.VMEM((_CH,), jnp.int32),
        pltpu.VMEM((_CH, _D), jnp.float32),
        pltpu.VMEM((_CH, _D), jnp.float32),
        pltpu.SemaphoreType.DMA,
        pltpu.SemaphoreType.DMA,
        pltpu.SemaphoreType.DMA,
    ],
    compiler_params=pltpu.CompilerParams(use_tc_tiling_on_sc=False),
)
def _gather_kernel(feats_hbm, idx_hbm, out_hbm,
                   idx0, idx1, rows0, rows1, gsem, osem0, osem1):
    info = plsc.get_sparse_core_info()
    nc = info.num_cores
    wid = lax.axis_index("s") * nc + lax.axis_index("c")
    count = (_NCHUNKS - wid + _NW - 1) // _NW

    idx_bufs = (idx0, idx1)
    row_bufs = (rows0, rows1)
    osems = (osem0, osem1)

    def do_chunk(k, t):
        idx_v = idx_bufs[t]
        rows_v = row_bufs[t]
        osem = osems[t]
        c = wid + k * _NW
        base = c * _CH

        @pl.when(k < count)
        def _():
            @pl.when(k >= 2)
            def _():
                pltpu.make_async_copy(
                    rows_v, out_hbm.at[pl.ds(0, _CH), pl.ds(0, _D)], osem
                ).wait()

            pltpu.sync_copy(idx_hbm.at[pl.ds(base, _CH)], idx_v)
            handles = []
            for j in range(_KS):
                handles.append(
                    pltpu.async_copy(
                        feats_hbm.at[idx_v.at[pl.ds(j * _SUB, _SUB)]],
                        rows_v.at[pl.ds(j * _SUB, _SUB)],
                        gsem,
                    )
                )
            for h in handles:
                h.wait()
            pltpu.async_copy(
                rows_v, out_hbm.at[pl.ds(base, _CH), pl.ds(0, _D)], osem
            )

    def pair_body(p, carry):
        do_chunk(2 * p, 0)
        do_chunk(2 * p + 1, 1)
        return carry

    lax.fori_loop(0, (_KMAX + 1) // 2, pair_body, 0)

    pltpu.make_async_copy(
        rows0, out_hbm.at[pl.ds(0, _CH), pl.ds(0, _D)], osem0
    ).wait()
    pltpu.make_async_copy(
        rows1, out_hbm.at[pl.ds(0, _CH), pl.ds(0, _D)], osem1
    ).wait()


def kernel(features_list, index_map_list):
    feats = features_list.reshape(_NT * _V, _D)
    offs = (jnp.arange(_NT, dtype=jnp.int32) * _V)[:, None]
    idx = (index_map_list.astype(jnp.int32) + offs).reshape(_TOTAL)
    out_padded = _gather_kernel(feats, idx)
    return out_padded[:, :_D]

# --- scband reference (transcript-rebuilt; emitter-appended) ---
"""Pipeline reference for scband-output-layer-1580547973911 (READ-ONLY COPY).

The authoritative reference and input builder live on the scoring server;
editing this copy changes nothing except your own understanding.
"""

import jax, jax.numpy as jnp
import numpy as np

def setup_inputs(seed: int = 0) -> dict:
    key = jax.random.key(seed)
    k1, k2 = jax.random.split(key)
    features_list = jax.random.normal(k1, (4, 100000, 64), dtype=jnp.float32)
    index_map_list = jax.random.randint(k2, (4, 150000), 0, 100000, dtype=jnp.int64)
    return {"features_list": features_list, "index_map_list": index_map_list}

def reference(features_list, index_map_list):
    # Faithful translation of OutputLayer.forward: for each (feat, index_map)
    # pair, gather rows feat[index_map], then concatenate along dim 0.
    out = []
    for b in range(features_list.shape[0]):
        feat = features_list[b]
        index_map = index_map_list[b]
        out.append(jnp.take(feat, index_map, axis=0))
    return jnp.concatenate(out, axis=0)

if __name__ == "__main__":
    import jax
    _d = setup_inputs()
    print(jax.jit(kernel)(*tuple(_d.values())))

</pallas_src>

<mosaic_0001>
#map = affine_map<(d0, d1) -> (0, 0)>
#map1 = affine_map<(d0, d1) -> (0)>
module attributes {stable_mosaic.version = 14 : i64} {
  func.func @_gather_kernel(%arg0: i32, %arg1: i32, %arg2: memref<400000x64xf32, #tpu.memory_space<hbm>>, %arg3: memref<600000xi32, #tpu.memory_space<hbm>>, %arg4: memref<600000x128xf32, #tpu.memory_space<hbm>>, %arg5: memref<960xi32, #tpu.memory_space<vmem>>, %arg6: memref<960xi32, #tpu.memory_space<vmem>>, %arg7: memref<960x64xf32, #tpu.memory_space<vmem>>, %arg8: memref<960x64xf32, #tpu.memory_space<vmem>>, %arg9: memref<!tpu.dma_semaphore, #tpu.memory_space<semaphore_mem>>, %arg10: memref<!tpu.dma_semaphore, #tpu.memory_space<semaphore_mem>>, %arg11: memref<!tpu.dma_semaphore, #tpu.memory_space<semaphore_mem>>) attributes {dimension_semantics = [#tpu.dimension_semantics<core_parallel>, #tpu.dimension_semantics<subcore_parallel>], iteration_bounds = array<i64: 2, 16>, scalar_prefetch = 0 : i64, scratch_operands = 7 : i64, tpu.core_type = #tpu.core_type<sc_vector_subcore>, window_params = [{transform_indices = #map}, {transform_indices = #map1}, {transform_indices = #map}]} {
    %mul3A = arith.constant 2 : i32
    %mul3A_0 = arith.muli %arg1, %mul3A : i32
    %add3A = arith.addi %mul3A_0, %arg0 : i32
    %sub3A = arith.constant 625 : i32
    %sub3A_1 = arith.subi %sub3A, %add3A : i32
    %add3A_2 = arith.constant 32 : i32
    %add3A_3 = arith.addi %sub3A_1, %add3A_2 : i32
    %sub3A_4 = arith.constant 1 : i32
    %sub3A_5 = arith.subi %add3A_3, %sub3A_4 : i32
    %jit3A = arith.constant 32 : i32
    %div3A = arith.divsi %sub3A_5, %jit3A : i32
    %sign3A = arith.constant 0 : i32
    %sign3A_6 = arith.cmpi sgt, %sub3A_5, %sign3A : i32
    %sign3A_7 = arith.extui %sign3A_6 : i1 to i32
    %sign3A_8 = arith.constant 0 : i32
    %sign3A_9 = arith.cmpi slt, %sub3A_5, %sign3A_8 : i32
    %sign3A_10 = arith.extui %sign3A_9 : i1 to i32
    %sign3A_11 = arith.subi %sign3A_7, %sign3A_10 : i32
    %sign3A_12 = arith.constant 0 : i32
    %sign3A_13 = arith.cmpi sgt, %jit3A, %sign3A_12 : i32
    %sign3A_14 = arith.extui %sign3A_13 : i1 to i32
    %sign3A_15 = arith.constant 0 : i32
    %sign3A_16 = arith.cmpi slt, %jit3A, %sign3A_15 : i32
    %sign3A_17 = arith.extui %sign3A_16 : i1 to i32
    %sign3A_18 = arith.subi %sign3A_14, %sign3A_17 : i32
    %ne3A = arith.cmpi ne, %sign3A_11, %sign3A_18 : i32
    %rem3A = arith.remsi %sub3A_5, %jit3A : i32
    %ne3A_19 = arith.constant 0 : i32
    %ne3A_20 = arith.cmpi ne, %rem3A, %ne3A_19 : i32
    %and3A = arith.andi %ne3A, %ne3A_20 : i1
    %sub3A_21 = arith.constant 1 : i32
    %sub3A_22 = arith.subi %div3A, %sub3A_21 : i32
    %select_n3A = arith.select %and3A, %sub3A_22, %div3A : i32
    %scan3A = arith.constant 0 : i32
    %scan3A_23 = arith.constant 0 : i32
    %scan3A_24 = arith.constant 10 : i32
    %scan3A_25 = arith.addi %scan3A_23, %scan3A_24 : i32
    %scan3A_26 = arith.constant 1 : i32
    scf.for %scan3A_39 = %scan3A_23 to %scan3A_25 step %scan3A_26  : i32 {
      %mul3A_40 = arith.constant 2 : i32
      %mul3A_41 = arith.muli %mul3A_40, %scan3A_39 : i32
      %mul3A_42 = arith.constant 32 : i32
      %mul3A_43 = arith.muli %mul3A_41, %mul3A_42 : i32
      %add3A_44 = arith.addi %add3A, %mul3A_43 : i32
      %mul3A_45 = arith.constant 960 : i32
      %mul3A_46 = arith.muli %add3A_44, %mul3A_45 : i32
      %lt3A = arith.cmpi slt, %mul3A_41, %select_n3A : i32
      %convert_element_type3A = arith.extui %lt3A : i1 to i32
      %cond3A = arith.constant 0 : i32
      %cond3A_47 = arith.cmpi ne, %convert_element_type3A, %cond3A : i32
      scf.if %cond3A_47 {
        %ge3A = arith.constant 2 : i32
        %ge3A_61 = arith.cmpi sge, %mul3A_41, %ge3A : i32
        %convert_element_type3A_62 = arith.extui %ge3A_61 : i1 to i32
        %cond3A_63 = arith.constant 0 : i32
        %cond3A_64 = arith.cmpi ne, %convert_element_type3A_62, %cond3A_63 : i32
        scf.if %cond3A_64 {
          %dma_wait3A_308 = arith.constant 0 : i32
          %dma_wait3A_309 = arith.constant 0 : i32
          %dma_wait3A_310 = tpu.memref_slice %arg4[%dma_wait3A_308, %dma_wait3A_309] : memref<600000x128xf32, #tpu.memory_space<hbm>> -> memref<960x64xf32, #tpu.memory_space<hbm>>
          %dma_wait3A_311 = arith.constant 0 : i32
          %dma_wait3A_312 = arith.constant 0 : i32
          %dma_wait3A_313 = tpu.memref_slice %arg4[%dma_wait3A_311, %dma_wait3A_312] : memref<600000x128xf32, #tpu.memory_space<hbm>> -> memref<960x64xf32, #tpu.memory_space<hbm>>
          tpu.wait_dma2 semaphore(%arg10 : memref<!tpu.dma_semaphore, #tpu.memory_space<semaphore_mem>>) src(%arg7 : memref<960x64xf32, #tpu.memory_space<vmem>>) dst(%dma_wait3A_313 : memref<960x64xf32, #tpu.memory_space<hbm>>)
        } else {
        }
        "tpu.region"() ({
          %run_scoped3A = tpu.sem_alloc : memref<!tpu.dma_semaphore, #tpu.memory_space<semaphore_mem>>
          %dma_start3A_308 = tpu.memref_slice %arg3[%mul3A_46] : memref<600000xi32, #tpu.memory_space<hbm>> -> memref<960xi32, #tpu.memory_space<hbm>>
          %dma_start3A_309 = tpu.memref_slice %arg3[%mul3A_46] : memref<600000xi32, #tpu.memory_space<hbm>> -> memref<960xi32, #tpu.memory_space<hbm>>
          tpu.enqueue_dma source(%dma_start3A_309 : memref<960xi32, #tpu.memory_space<hbm>>) target(%arg5 : memref<960xi32, #tpu.memory_space<vmem>>) target_semaphore(%run_scoped3A : memref<!tpu.dma_semaphore, #tpu.memory_space<semaphore_mem>>)
          %dma_wait3A_310 = tpu.memref_slice %arg3[%mul3A_46] : memref<600000xi32, #tpu.memory_space<hbm>> -> memref<960xi32, #tpu.memory_space<hbm>>
          %dma_wait3A_311 = tpu.memref_slice %arg3[%mul3A_46] : memref<600000xi32, #tpu.memory_space<hbm>> -> memref<960xi32, #tpu.memory_space<hbm>>
          tpu.wait_dma2 semaphore(%run_scoped3A : memref<!tpu.dma_semaphore, #tpu.memory_space<semaphore_mem>>) src(%dma_wait3A_311 : memref<960xi32, #tpu.memory_space<hbm>>) dst(%arg5 : memref<960xi32, #tpu.memory_space<vmem>>)
          tpu.yield
        }) : () -> ()
        %dma_start3A = arith.constant 0 : i32
        %dma_start3A_65 = arith.constant 0 : i32
        %dma_start3A_66 = tpu.memref_slice %arg7[%dma_start3A, %dma_start3A_65] : memref<960x64xf32, #tpu.memory_space<vmem>> -> memref<64x64xf32, #tpu.memory_space<vmem>>
        %dma_start3A_67 = arith.constant 0 : i32
        %dma_start3A_68 = tpu.memref_slice %arg5[%dma_start3A_67] : memref<960xi32, #tpu.memory_space<vmem>> -> memref<64xi32, #tpu.memory_space<vmem>>
        %dma_start3A_69 = arith.constant 0 : i32
        %dma_start3A_70 = arith.constant 0 : i32
        %dma_start3A_71 = tpu.memref_slice %arg2[%dma_start3A_69, %dma_start3A_70] : memref<400000x64xf32, #tpu.memory_space<hbm>> -> memref<400000x64xf32, #tpu.memory_space<hbm>>
        tpu.enqueue_indirect_dma source(%dma_start3A_71 : memref<400000x64xf32, #tpu.memory_space<hbm>>) target(%dma_start3A_66 : memref<64x64xf32, #tpu.memory_space<vmem>>) offsets(%dma_start3A_68 : memref<64xi32, #tpu.memory_space<vmem>>) semaphore(%arg9 : memref<!tpu.dma_semaphore, #tpu.memory_space<semaphore_mem>>)
        %dma_start3A_72 = arith.constant 64 : i32
        %dma_start3A_73 = arith.constant 0 : i32
        %dma_start3A_74 = tpu.memref_slice %arg7[%dma_start3A_72, %dma_start3A_73] : memref<960x64xf32, #tpu.memory_space<vmem>> -> memref<64x64xf32, #tpu.memory_space<vmem>>
        %dma_start3A_75 = arith.constant 64 : i32
        %dma_start3A_76 = tpu.memref_slice %arg5[%dma_start3A_75] : memref<960xi32, #tpu.memory_space<vmem>> -> memref<64xi32, #tpu.memory_space<vmem>>
        %dma_start3A_77 = arith.constant 0 : i32
        %dma_start3A_78 = arith.constant 0 : i32
        %dma_start3A_79 = tpu.memref_slice %arg2[%dma_start3A_77, %dma_start3A_78] : memref<400000x64xf32, #tpu.memory_space<hbm>> -> memref<400000x64xf32, #tpu.memory_space<hbm>>
        tpu.enqueue_indirect_dma source(%dma_start3A_79 : memref<400000x64xf32, #tpu.memory_space<hbm>>) target(%dma_start3A_74 : memref<64x64xf32, #tpu.memory_space<vmem>>) offsets(%dma_start3A_76 : memref<64xi32, #tpu.memory_space<vmem>>) semaphore(%arg9 : memref<!tpu.dma_semaphore, #tpu.memory_space<semaphore_mem>>)
        %dma_start3A_80 = arith.constant 128 : i32
        %dma_start3A_81 = arith.constant 0 : i32
        %dma_start3A_82 = tpu.memref_slice %arg7[%dma_start3A_80, %dma_start3A_81] : memref<960x64xf32, #tpu.memory_space<vmem>> -> memref<64x64xf32, #tpu.memory_space<vmem>>
        %dma_start3A_83 = arith.constant 128 : i32
        %dma_start3A_84 = tpu.memref_slice %arg5[%dma_start3A_83] : memref<960xi32, #tpu.memory_space<vmem>> -> memref<64xi32, #tpu.memory_space<vmem>>
        %dma_start3A_85 = arith.constant 0 : i32
        %dma_start3A_86 = arith.constant 0 : i32
        %dma_start3A_87 = tpu.memref_slice %arg2[%dma_start3A_85, %dma_start3A_86] : memref<400000x64xf32, #tpu.memory_space<hbm>> -> memref<400000x64xf32, #tpu.memory_space<hbm>>
        tpu.enqueue_indirect_dma source(%dma_start3A_87 : memref<400000x64xf32, #tpu.memory_space<hbm>>) target(%dma_start3A_82 : memref<64x64xf32, #tpu.memory_space<vmem>>) offsets(%dma_start3A_84 : memref<64xi32, #tpu.memory_space<vmem>>) semaphore(%arg9 : memref<!tpu.dma_semaphore, #tpu.memory_space<semaphore_mem>>)
        %dma_start3A_88 = arith.constant 192 : i32
        %dma_start3A_89 = arith.constant 0 : i32
        %dma_start3A_90 = tpu.memref_slice %arg7[%dma_start3A_88, %dma_start3A_89] : memref<960x64xf32, #tpu.memory_space<vmem>> -> memref<64x64xf32, #tpu.memory_space<vmem>>
        %dma_start3A_91 = arith.constant 192 : i32
        %dma_start3A_92 = tpu.memref_slice %arg5[%dma_start3A_91] : memref<960xi32, #tpu.memory_space<vmem>> -> memref<64xi32, #tpu.memory_space<vmem>>
        %dma_start3A_93 = arith.constant 0 : i32
        %dma_start3A_94 = arith.constant 0 : i32
        %dma_start3A_95 = tpu.memref_slice %arg2[%dma_start3A_93, %dma_start3A_94] : memref<400000x64xf32, #tpu.memory_space<hbm>> -> memref<400000x64xf32, #tpu.memory_space<hbm>>
        tpu.enqueue_indirect_dma source(%dma_start3A_95 : memref<400000x64xf32, #tpu.memory_space<hbm>>) target(%dma_start3A_90 : memref<64x64xf32, #tpu.memory_space<vmem>>) offsets(%dma_start3A_92 : memref<64xi32, #tpu.memory_space<vmem>>) semaphore(%arg9 : memref<!tpu.dma_semaphore, #tpu.memory_space<semaphore_mem>>)
        %dma_start3A_96 = arith.constant 256 : i32
        %dma_start3A_97 = arith.constant 0 : i32
        %dma_start3A_98 = tpu.memref_slice %arg7[%dma_start3A_96, %dma_start3A_97] : memref<960x64xf32, #tpu.memory_space<vmem>> -> memref<64x64xf32, #tpu.memory_space<vmem>>
        %dma_start3A_99 = arith.constant 256 : i32
        %dma_start3A_100 = tpu.memref_slice %arg5[%dma_start3A_99] : memref<960xi32, #tpu.memory_space<vmem>> -> memref<64xi32, #tpu.memory_space<vmem>>
        %dma_start3A_101 = arith.constant 0 : i32
        %dma_start3A_102 = arith.constant 0 : i32
        %dma_start3A_103 = tpu.memref_slice %arg2[%dma_start3A_101, %dma_start3A_102] : memref<400000x64xf32, #tpu.memory_space<hbm>> -> memref<400000x64xf32, #tpu.memory_space<hbm>>
        tpu.enqueue_indirect_dma source(%dma_start3A_103 : memref<400000x64xf32, #tpu.memory_space<hbm>>) target(%dma_start3A_98 : memref<64x64xf32, #tpu.memory_space<vmem>>) offsets(%dma_start3A_100 : memref<64xi32, #tpu.memory_space<vmem>>) semaphore(%arg9 : memref<!tpu.dma_semaphore, #tpu.memory_space<semaphore_mem>>)
        %dma_start3A_104 = arith.constant 320 : i32
        %dma_start3A_105 = arith.constant 0 : i32
        %dma_start3A_106 = tpu.memref_slice %arg7[%dma_start3A_104, %dma_start3A_105] : memref<960x64xf32, #tpu.memory_space<vmem>> -> memref<64x64xf32, #tpu.memory_space<vmem>>
        %dma_start3A_107 = arith.constant 320 : i32
        %dma_start3A_108 = tpu.memref_slice %arg5[%dma_start3A_107] : memref<960xi32, #tpu.memory_space<vmem>> -> memref<64xi32, #tpu.memory_space<vmem>>
        %dma_start3A_109 = arith.constant 0 : i32
        %dma_start3A_110 = arith.constant 0 : i32
        %dma_start3A_111 = tpu.memref_slice %arg2[%dma_start3A_109, %dma_start3A_110] : memref<400000x64xf32, #tpu.memory_space<hbm>> -> memref<400000x64xf32, #tpu.memory_space<hbm>>
        tpu.enqueue_indirect_dma source(%dma_start3A_111 : memref<400000x64xf32, #tpu.memory_space<hbm>>) target(%dma_start3A_106 : memref<64x64xf32, #tpu.memory_space<vmem>>) offsets(%dma_start3A_108 : memref<64xi32, #tpu.memory_space<vmem>>) semaphore(%arg9 : memref<!tpu.dma_semaphore, #tpu.memory_space<semaphore_mem>>)
        %dma_start3A_112 = arith.constant 384 : i32
        %dma_start3A_113 = arith.constant 0 : i32
        %dma_start3A_114 = tpu.memref_slice %arg7[%dma_start3A_112, %dma_start3A_113] : memref<960x64xf32, #tpu.memory_space<vmem>> -> memref<64x64xf32, #tpu.memory_space<vmem>>
        %dma_start3A_115 = arith.constant 384 : i32
        %dma_start3A_116 = tpu.memref_slice %arg5[%dma_start3A_115] : memref<960xi32, #tpu.memory_space<vmem>> -> memref<64xi32, #tpu.memory_space<vmem>>
        %dma_start3A_117 = arith.constant 0 : i32
        %dma_start3A_118 = arith.constant 0 : i32
        %dma_start3A_119 = tpu.memref_slice %arg2[%dma_start3A_117, %dma_start3A_118] : memref<400000x64xf32, #tpu.memory_space<hbm>> -> memref<400000x64xf32, #tpu.memory_space<hbm>>
        tpu.enqueue_indirect_dma source(%dma_start3A_119 : memref<400000x64xf32, #tpu.memory_space<hbm>>) target(%dma_start3A_114 : memref<64x64xf32, #tpu.memory_space<vmem>>) offsets(%dma_start3A_116 : memref<64xi32, #tpu.memory_space<vmem>>) semaphore(%arg9 : memref<!tpu.dma_semaphore, #tpu.memory_space<semaphore_mem>>)
        %dma_start3A_120 = arith.constant 448 : i32
        %dma_start3A_121 = arith.constant 0 : i32
        %dma_start3A_122 = tpu.memref_slice %arg7[%dma_start3A_120, %dma_start3A_121] : memref<960x64xf32, #tpu.memory_space<vmem>> -> memref<64x64xf32, #tpu.memory_space<vmem>>
        %dma_start3A_123 = arith.constant 448 : i32
        %dma_start3A_124 = tpu.memref_slice %arg5[%dma_start3A_123] : memref<960xi32, #tpu.memory_space<vmem>> -> memref<64xi32, #tpu.memory_space<vmem>>
        %dma_start3A_125 = arith.constant 0 : i32
        %dma_start3A_126 = arith.constant 0 : i32
        %dma_start3A_127 = tpu.memref_slice %arg2[%dma_start3A_125, %dma_start3A_126] : memref<400000x64xf32, #tpu.memory_space<hbm>> -> memref<400000x64xf32, #tpu.memory_space<hbm>>
        tpu.enqueue_indirect_dma source(%dma_start3A_127 : memref<400000x64xf32, #tpu.memory_space<hbm>>) target(%dma_start3A_122 : memref<64x64xf32, #tpu.memory_space<vmem>>) offsets(%dma_start3A_124 : memref<64xi32, #tpu.memory_space<vmem>>) semaphore(%arg9 : memref<!tpu.dma_semaphore, #tpu.memory_space<semaphore_mem>>)
        %dma_start3A_128 = arith.constant 512 : i32
        %dma_start3A_129 = arith.constant 0 : i32
        %dma_start3A_130 = tpu.memref_slice %arg7[%dma_start3A_128, %dma_start3A_129] : memref<960x64xf32, #tpu.memory_space<vmem>> -> memref<64x64xf32, #tpu.memory_space<vmem>>
        %dma_start3A_131 = arith.constant 512 : i32
        %dma_start3A_132 = tpu.memref_slice %arg5[%dma_start3A_131] : memref<960xi32, #tpu.memory_space<vmem>> -> memref<64xi32, #tpu.memory_space<vmem>>
        %dma_start3A_133 = arith.constant 0 : i32
        %dma_start3A_134 = arith.constant 0 : i32
        %dma_start3A_135 = tpu.memref_slice %arg2[%dma_start3A_133, %dma_start3A_134] : memref<400000x64xf32, #tpu.memory_space<hbm>> -> memref<400000x64xf32, #tpu.memory_space<hbm>>
        tpu.enqueue_indirect_dma source(%dma_start3A_135 : memref<400000x64xf32, #tpu.memory_space<hbm>>) target(%dma_start3A_130 : memref<64x64xf32, #tpu.memory_space<vmem>>) offsets(%dma_start3A_132 : memref<64xi32, #tpu.memory_space<vmem>>) semaphore(%arg9 : memref<!tpu.dma_semaphore, #tpu.memory_space<semaphore_mem>>)
        %dma_start3A_136 = arith.constant 576 : i32
        %dma_start3A_137 = arith.constant 0 : i32
        %dma_start3A_138 = tpu.memref_slice %arg7[%dma_start3A_136, %dma_start3A_137] : memref<960x64xf32, #tpu.memory_space<vmem>> -> memref<64x64xf32, #tpu.memory_space<vmem>>
        %dma_start3A_139 = arith.constant 576 : i32
        %dma_start3A_140 = tpu.memref_slice %arg5[%dma_start3A_139] : memref<960xi32, #tpu.memory_space<vmem>> -> memref<64xi32, #tpu.memory_space<vmem>>
        %dma_start3A_141 = arith.constant 0 : i32
        %dma_start3A_142 = arith.constant 0 : i32
        %dma_start3A_143 = tpu.memref_slice %arg2[%dma_start3A_141, %dma_start3A_142] : memref<400000x64xf32, #tpu.memory_space<hbm>> -> memref<400000x64xf32, #tpu.memory_space<hbm>>
        tpu.enqueue_indirect_dma source(%dma_start3A_143 : memref<400000x64xf32, #tpu.memory_space<hbm>>) target(%dma_start3A_138 : memref<64x64xf32, #tpu.memory_space<vmem>>) offsets(%dma_start3A_140 : memref<64xi32, #tpu.memory_space<vmem>>) semaphore(%arg9 : memref<!tpu.dma_semaphore, #tpu.memory_space<semaphore_mem>>)
        %dma_start3A_144 = arith.constant 640 : i32
        %dma_start3A_145 = arith.constant 0 : i32
        %dma_start3A_146 = tpu.memref_slice %arg7[%dma_start3A_144, %dma_start3A_145] : memref<960x64xf32, #tpu.memory_space<vmem>> -> memref<64x64xf32, #tpu.memory_space<vmem>>
        %dma_start3A_147 = arith.constant 640 : i32
        %dma_start3A_148 = tpu.memref_slice %arg5[%dma_start3A_147] : memref<960xi32, #tpu.memory_space<vmem>> -> memref<64xi32, #tpu.memory_space<vmem>>
        %dma_start3A_149 = arith.constant 0 : i32
        %dma_start3A_150 = arith.constant 0 : i32
        %dma_start3A_151 = tpu.memref_slice %arg2[%dma_start3A_149, %dma_start3A_150] : memref<400000x64xf32, #tpu.memory_space<hbm>> -> memref<400000x64xf32, #tpu.memory_space<hbm>>
        tpu.enqueue_indirect_dma source(%dma_start3A_151 : memref<400000x64xf32, #tpu.memory_space<hbm>>) target(%dma_start3A_146 : memref<64x64xf32, #tpu.memory_space<vmem>>) offsets(%dma_start3A_148 : memref<64xi32, #tpu.memory_space<vmem>>) semaphore(%arg9 : memref<!tpu.dma_semaphore, #tpu.memory_space<semaphore_mem>>)
        %dma_start3A_152 = arith.constant 704 : i32
        %dma_start3A_153 = arith.constant 0 : i32
        %dma_start3A_154 = tpu.memref_slice %arg7[%dma_start3A_152, %dma_start3A_153] : memref<960x64xf32, #tpu.memory_space<vmem>> -> memref<64x64xf32, #tpu.memory_space<vmem>>
        %dma_start3A_155 = arith.constant 704 : i32
        %dma_start3A_156 = tpu.memref_slice %arg5[%dma_start3A_155] : memref<960xi32, #tpu.memory_space<vmem>> -> memref<64xi32, #tpu.memory_space<vmem>>
        %dma_start3A_157 = arith.constant 0 : i32
        %dma_start3A_158 = arith.constant 0 : i32
        %dma_start3A_159 = tpu.memref_slice %arg2[%dma_start3A_157, %dma_start3A_158] : memref<400000x64xf32, #tpu.memory_space<hbm>> -> memref<400000x64xf32, #tpu.memory_space<hbm>>
        tpu.enqueue_indirect_dma source(%dma_start3A_159 : memref<400000x64xf32, #tpu.memory_space<hbm>>) target(%dma_start3A_154 : memref<64x64xf32, #tpu.memory_space<vmem>>) offsets(%dma_start3A_156 : memref<64xi32, #tpu.memory_space<vmem>>) semaphore(%arg9 : memref<!tpu.dma_semaphore, #tpu.memory_space<semaphore_mem>>)
        %dma_start3A_160 = arith.constant 768 : i32
        %dma_start3A_161 = arith.constant 0 : i32
        %dma_start3A_162 = tpu.memref_slice %arg7[%dma_start3A_160, %dma_start3A_161] : memref<960x64xf32, #tpu.memory_space<vmem>> -> memref<64x64xf32, #tpu.memory_space<vmem>>
        %dma_start3A_163 = arith.constant 768 : i32
        %dma_start3A_164 = tpu.memref_slice %arg5[%dma_start3A_163] : memref<960xi32, #tpu.memory_space<vmem>> -> memref<64xi32, #tpu.memory_space<vmem>>
        %dma_start3A_165 = arith.constant 0 : i32
        %dma_start3A_166 = arith.constant 0 : i32
        %dma_start3A_167 = tpu.memref_slice %arg2[%dma_start3A_165, %dma_start3A_166] : memref<400000x64xf32, #tpu.memory_space<hbm>> -> memref<400000x64xf32, #tpu.memory_space<hbm>>
        tpu.enqueue_indirect_dma source(%dma_start3A_167 : memref<400000x64xf32, #tpu.memory_space<hbm>>) target(%dma_start3A_162 : memref<64x64xf32, #tpu.memory_space<vmem>>) offsets(%dma_start3A_164 : memref<64xi32, #tpu.memory_space<vmem>>) semaphore(%arg9 : memref<!tpu.dma_semaphore, #tpu.memory_space<semaphore_mem>>)
        %dma_start3A_168 = arith.constant 832 : i32
        %dma_start3A_169 = arith.constant 0 : i32
        %dma_start3A_170 = tpu.memref_slice %arg7[%dma_start3A_168, %dma_start3A_169] : memref<960x64xf32, #tpu.memory_space<vmem>> -> memref<64x64xf32, #tpu.memory_space<vmem>>
        %dma_start3A_171 = arith.constant 832 : i32
        %dma_start3A_172 = tpu.memref_slice %arg5[%dma_start3A_171] : memref<960xi32, #tpu.memory_space<vmem>> -> memref<64xi32, #tpu.memory_space<vmem>>
        %dma_start3A_173 = arith.constant 0 : i32
        %dma_start3A_174 = arith.constant 0 : i32
        %dma_start3A_175 = tpu.memref_slice %arg2[%dma_start3A_173, %dma_start3A_174] : memref<400000x64xf32, #tpu.memory_space<hbm>> -> memref<400000x64xf32, #tpu.memory_space<hbm>>
        tpu.enqueue_indirect_dma source(%dma_start3A_175 : memref<400000x64xf32, #tpu.memory_space<hbm>>) target(%dma_start3A_170 : memref<64x64xf32, #tpu.memory_space<vmem>>) offsets(%dma_start3A_172 : memref<64xi32, #tpu.memory_space<vmem>>) semaphore(%arg9 : memref<!tpu.dma_semaphore, #tpu.memory_space<semaphore_mem>>)
        %dma_start3A_176 = arith.constant 896 : i32
        %dma_start3A_177 = arith.constant 0 : i32
        %dma_start3A_178 = tpu.memref_slice %arg7[%dma_start3A_176, %dma_start3A_177] : memref<960x64xf32, #tpu.memory_space<vmem>> -> memref<64x64xf32, #tpu.memory_space<vmem>>
        %dma_start3A_179 = arith.constant 896 : i32
        %dma_start3A_180 = tpu.memref_slice %arg5[%dma_start3A_179] : memref<960xi32, #tpu.memory_space<vmem>> -> memref<64xi32, #tpu.memory_space<vmem>>
        %dma_start3A_181 = arith.constant 0 : i32
        %dma_start3A_182 = arith.constant 0 : i32
        %dma_start3A_183 = tpu.memref_slice %arg2[%dma_start3A_181, %dma_start3A_182] : memref<400000x64xf32, #tpu.memory_space<hbm>> -> memref<400000x64xf32, #tpu.memory_space<hbm>>
        tpu.enqueue_indirect_dma source(%dma_start3A_183 : memref<400000x64xf32, #tpu.memory_space<hbm>>) target(%dma_start3A_178 : memref<64x64xf32, #tpu.memory_space<vmem>>) offsets(%dma_start3A_180 : memref<64xi32, #tpu.memory_space<vmem>>) semaphore(%arg9 : memref<!tpu.dma_semaphore, #tpu.memory_space<semaphore_mem>>)
        %dma_wait3A_184 = arith.constant 0 : i32
        %dma_wait3A_185 = arith.constant 0 : i32
        %dma_wait3A_186 = tpu.memref_slice %arg7[%dma_wait3A_184, %dma_wait3A_185] : memref<960x64xf32, #tpu.memory_space<vmem>> -> memref<64x64xf32, #tpu.memory_space<vmem>>
        %dma_wait3A_187 = arith.constant 0 : i32
        %dma_wait3A_188 = tpu.memref_slice %arg5[%dma_wait3A_187] : memref<960xi32, #tpu.memory_space<vmem>> -> memref<64xi32, #tpu.memory_space<vmem>>
        %dma_wait3A_189 = arith.constant 0 : i32
        %dma_wait3A_190 = arith.constant 0 : i32
        %dma_wait3A_191 = tpu.memref_slice %arg2[%dma_wait3A_189, %dma_wait3A_190] : memref<400000x64xf32, #tpu.memory_space<hbm>> -> memref<400000x64xf32, #tpu.memory_space<hbm>>
        tpu.wait_indirect_dma semaphore(%arg9 : memref<!tpu.dma_semaphore, #tpu.memory_space<semaphore_mem>>) src(%dma_wait3A_191 : memref<400000x64xf32, #tpu.memory_space<hbm>>) dst(%dma_wait3A_186 : memref<64x64xf32, #tpu.memory_space<vmem>>)
        %dma_wait3A_192 = arith.constant 64 : i32
        %dma_wait3A_193 = arith.constant 0 : i32
        %dma_wait3A_194 = tpu.memref_slice %arg7[%dma_wait3A_192, %dma_wait3A_193] : memref<960x64xf32, #tpu.memory_space<vmem>> -> memref<64x64xf32, #tpu.memory_space<vmem>>
        %dma_wait3A_195 = arith.constant 64 : i32
        %dma_wait3A_196 = tpu.memref_slice %arg5[%dma_wait3A_195] : memref<960xi32, #tpu.memory_space<vmem>> -> memref<64xi32, #tpu.memory_space<vmem>>
        %dma_wait3A_197 = arith.constant 0 : i32
        %dma_wait3A_198 = arith.constant 0 : i32
        %dma_wait3A_199 = tpu.memref_slice %arg2[%dma_wait3A_197, %dma_wait3A_198] : memref<400000x64xf32, #tpu.memory_space<hbm>> -> memref<400000x64xf32, #tpu.memory_space<hbm>>
        tpu.wait_indirect_dma semaphore(%arg9 : memref<!tpu.dma_semaphore, #tpu.memory_space<semaphore_mem>>) src(%dma_wait3A_199 : memref<400000x64xf32, #tpu.memory_space<hbm>>) dst(%dma_wait3A_194 : memref<64x64xf32, #tpu.memory_space<vmem>>)
        %dma_wait3A_200 = arith.constant 128 : i32
        %dma_wait3A_201 = arith.constant 0 : i32
        %dma_wait3A_202 = tpu.memref_slice %arg7[%dma_wait3A_200, %dma_wait3A_201] : memref<960x64xf32, #tpu.memory_space<vmem>> -> memref<64x64xf32, #tpu.memory_space<vmem>>
        %dma_wait3A_203 = arith.constant 128 : i32
        %dma_wait3A_204 = tpu.memref_slice %arg5[%dma_wait3A_203] : memref<960xi32, #tpu.memory_space<vmem>> -> memref<64xi32, #tpu.memory_space<vmem>>
        %dma_wait3A_205 = arith.constant 0 : i32
        %dma_wait3A_206 = arith.constant 0 : i32
        %dma_wait3A_207 = tpu.memref_slice %arg2[%dma_wait3A_205, %dma_wait3A_206] : memref<400000x64xf32, #tpu.memory_space<hbm>> -> memref<400000x64xf32, #tpu.memory_space<hbm>>
        tpu.wait_indirect_dma semaphore(%arg9 : memref<!tpu.dma_semaphore, #tpu.memory_space<semaphore_mem>>) src(%dma_wait3A_207 : memref<400000x64xf32, #tpu.memory_space<hbm>>) dst(%dma_wait3A_202 : memref<64x64xf32, #tpu.memory_space<vmem>>)
        %dma_wait3A_208 = arith.constant 192 : i32
        %dma_wait3A_209 = arith.constant 0 : i32
        %dma_wait3A_210 = tpu.memref_slice %arg7[%dma_wait3A_208, %dma_wait3A_209] : memref<960x64xf32, #tpu.memory_space<vmem>> -> memref<64x64xf32, #tpu.memory_space<vmem>>
        %dma_wait3A_211 = arith.constant 192 : i32
        %dma_wait3A_212 = tpu.memref_slice %arg5[%dma_wait3A_211] : memref<960xi32, #tpu.memory_space<vmem>> -> memref<64xi32, #tpu.memory_space<vmem>>
        %dma_wait3A_213 = arith.constant 0 : i32
        %dma_wait3A_214 = arith.constant 0 : i32
        %dma_wait3A_215 = tpu.memref_slice %arg2[%dma_wait3A_213, %dma_wait3A_214] : memref<400000x64xf32, #tpu.memory_space<hbm>> -> memref<400000x64xf32, #tpu.memory_space<hbm>>
        tpu.wait_indirect_dma semaphore(%arg9 : memref<!tpu.dma_semaphore, #tpu.memory_space<semaphore_mem>>) src(%dma_wait3A_215 : memref<400000x64xf32, #tpu.memory_space<hbm>>) dst(%dma_wait3A_210 : memref<64x64xf32, #tpu.memory_space<vmem>>)
        %dma_wait3A_216 = arith.constant 256 : i32
        %dma_wait3A_217 = arith.constant 0 : i32
        %dma_wait3A_218 = tpu.memref_slice %arg7[%dma_wait3A_216, %dma_wait3A_217] : memref<960x64xf32, #tpu.memory_space<vmem>> -> memref<64x64xf32, #tpu.memory_space<vmem>>
        %dma_wait3A_219 = arith.constant 256 : i32
        %dma_wait3A_220 = tpu.memref_slice %arg5[%dma_wait3A_219] : memref<960xi32, #tpu.memory_space<vmem>> -> memref<64xi32, #tpu.memory_space<vmem>>
        %dma_wait3A_221 = arith.constant 0 : i32
        %dma_wait3A_222 = arith.constant 0 : i32
        %dma_wait3A_223 = tpu.memref_slice %arg2[%dma_wait3A_221, %dma_wait3A_222] : memref<400000x64xf32, #tpu.memory_space<hbm>> -> memref<400000x64xf32, #tpu.memory_space<hbm>>
        tpu.wait_indirect_dma semaphore(%arg9 : memref<!tpu.dma_semaphore, #tpu.memory_space<semaphore_mem>>) src(%dma_wait3A_223 : memref<400000x64xf32, #tpu.memory_space<hbm>>) dst(%dma_wait3A_218 : memref<64x64xf32, #tpu.memory_space<vmem>>)
        %dma_wait3A_224 = arith.constant 320 : i32
        %dma_wait3A_225 = arith.constant 0 : i32
        %dma_wait3A_226 = tpu.memref_slice %arg7[%dma_wait3A_224, %dma_wait3A_225] : memref<960x64xf32, #tpu.memory_space<vmem>> -> memref<64x64xf32, #tpu.memory_space<vmem>>
        %dma_wait3A_227 = arith.constant 320 : i32
        %dma_wait3A_228 = tpu.memref_slice %arg5[%dma_wait3A_227] : memref<960xi32, #tpu.memory_space<vmem>> -> memref<64xi32, #tpu.memory_space<vmem>>
        %dma_wait3A_229 = arith.constant 0 : i32
        %dma_wait3A_230 = arith.constant 0 : i32
        %dma_wait3A_231 = tpu.memref_slice %arg2[%dma_wait3A_229, %dma_wait3A_230] : memref<400000x64xf32, #tpu.memory_space<hbm>> -> memref<400000x64xf32, #tpu.memory_space<hbm>>
        tpu.wait_indirect_dma semaphore(%arg9 : memref<!tpu.dma_semaphore, #tpu.memory_space<semaphore_mem>>) src(%dma_wait3A_231 : memref<400000x64xf32, #tpu.memory_space<hbm>>) dst(%dma_wait3A_226 : memref<64x64xf32, #tpu.memory_space<vmem>>)
        %dma_wait3A_232 = arith.constant 384 : i32
        %dma_wait3A_233 = arith.constant 0 : i32
        %dma_wait3A_234 = tpu.memref_slice %arg7[%dma_wait3A_232, %dma_wait3A_233] : memref<960x64xf32, #tpu.memory_space<vmem>> -> memref<64x64xf32, #tpu.memory_space<vmem>>
        %dma_wait3A_235 = arith.constant 384 : i32
        %dma_wait3A_236 = tpu.memref_slice %arg5[%dma_wait3A_235] : memref<960xi32, #tpu.memory_space<vmem>> -> memref<64xi32, #tpu.memory_space<vmem>>
        %dma_wait3A_237 = arith.constant 0 : i32
        %dma_wait3A_238 = arith.constant 0 : i32
        %dma_wait3A_239 = tpu.memref_slice %arg2[%dma_wait3A_237, %dma_wait3A_238] : memref<400000x64xf32, #tpu.memory_space<hbm>> -> memref<400000x64xf32, #tpu.memory_space<hbm>>
        tpu.wait_indirect_dma semaphore(%arg9 : memref<!tpu.dma_semaphore, #tpu.memory_space<semaphore_mem>>) src(%dma_wait3A_239 : memref<400000x64xf32, #tpu.memory_space<hbm>>) dst(%dma_wait3A_234 : memref<64x64xf32, #tpu.memory_space<vmem>>)
        %dma_wait3A_240 = arith.constant 448 : i32
        %dma_wait3A_241 = arith.constant 0 : i32
        %dma_wait3A_242 = tpu.memref_slice %arg7[%dma_wait3A_240, %dma_wait3A_241] : memref<960x64xf32, #tpu.memory_space<vmem>> -> memref<64x64xf32, #tpu.memory_space<vmem>>
        %dma_wait3A_243 = arith.constant 448 : i32
        %dma_wait3A_244 = tpu.memref_slice %arg5[%dma_wait3A_243] : memref<960xi32, #tpu.memory_space<vmem>> -> memref<64xi32, #tpu.memory_space<vmem>>
        %dma_wait3A_245 = arith.constant 0 : i32
        %dma_wait3A_246 = arith.constant 0 : i32
        %dma_wait3A_247 = tpu.memref_slice %arg2[%dma_wait3A_245, %dma_wait3A_246] : memref<400000x64xf32, #tpu.memory_space<hbm>> -> memref<400000x64xf32, #tpu.memory_space<hbm>>
        tpu.wait_indirect_dma semaphore(%arg9 : memref<!tpu.dma_semaphore, #tpu.memory_space<semaphore_mem>>) src(%dma_wait3A_247 : memref<400000x64xf32, #tpu.memory_space<hbm>>) dst(%dma_wait3A_242 : memref<64x64xf32, #tpu.memory_space<vmem>>)
        %dma_wait3A_248 = arith.constant 512 : i32
        %dma_wait3A_249 = arith.constant 0 : i32
        %dma_wait3A_250 = tpu.memref_slice %arg7[%dma_wait3A_248, %dma_wait3A_249] : memref<960x64xf32, #tpu.memory_space<vmem>> -> memref<64x64xf32, #tpu.memory_space<vmem>>
        %dma_wait3A_251 = arith.constant 512 : i32
        %dma_wait3A_252 = tpu.memref_slice %arg5[%dma_wait3A_251] : memref<960xi32, #tpu.memory_space<vmem>> -> memref<64xi32, #tpu.memory_space<vmem>>
        %dma_wait3A_253 = arith.constant 0 : i32
        %dma_wait3A_254 = arith.constant 0 : i32
        %dma_wait3A_255 = tpu.memref_slice %arg2[%dma_wait3A_253, %dma_wait3A_254] : memref<400000x64xf32, #tpu.memory_space<hbm>> -> memref<400000x64xf32, #tpu.memory_space<hbm>>
        tpu.wait_indirect_dma semaphore(%arg9 : memref<!tpu.dma_semaphore, #tpu.memory_space<semaphore_mem>>) src(%dma_wait3A_255 : memref<400000x64xf32, #tpu.memory_space<hbm>>) dst(%dma_wait3A_250 : memref<64x64xf32, #tpu.memory_space<vmem>>)
        %dma_wait3A_256 = arith.constant 576 : i32
        %dma_wait3A_257 = arith.constant 0 : i32
        %dma_wait3A_258 = tpu.memref_slice %arg7[%dma_wait3A_256, %dma_wait3A_257] : memref<960x64xf32, #tpu.memory_space<vmem>> -> memref<64x64xf32, #tpu.memory_space<vmem>>
        %dma_wait3A_259 = arith.constant 576 : i32
        %dma_wait3A_260 = tpu.memref_slice %arg5[%dma_wait3A_259] : memref<960xi32, #tpu.memory_space<vmem>> -> memref<64xi32, #tpu.memory_space<vmem>>
        %dma_wait3A_261 = arith.constant 0 : i32
        %dma_wait3A_262 = arith.constant 0 : i32
        %dma_wait3A_263 = tpu.memref_slice %arg2[%dma_wait3A_261, %dma_wait3A_262] : memref<400000x64xf32, #tpu.memory_space<hbm>> -> memref<400000x64xf32, #tpu.memory_space<hbm>>
        tpu.wait_indirect_dma semaphore(%arg9 : memref<!tpu.dma_semaphore, #tpu.memory_space<semaphore_mem>>) src(%dma_wait3A_263 : memref<400000x64xf32, #tpu.memory_space<hbm>>) dst(%dma_wait3A_258 : memref<64x64xf32, #tpu.memory_space<vmem>>)
        %dma_wait3A_264 = arith.constant 640 : i32
        %dma_wait3A_265 = arith.constant 0 : i32
        %dma_wait3A_266 = tpu.memref_slice %arg7[%dma_wait3A_264, %dma_wait3A_265] : memref<960x64xf32, #tpu.memory_space<vmem>> -> memref<64x64xf32, #tpu.memory_space<vmem>>
        %dma_wait3A_267 = arith.constant 640 : i32
        %dma_wait3A_268 = tpu.memref_slice %arg5[%dma_wait3A_267] : memref<960xi32, #tpu.memory_space<vmem>> -> memref<64xi32, #tpu.memory_space<vmem>>
        %dma_wait3A_269 = arith.constant 0 : i32
        %dma_wait3A_270 = arith.constant 0 : i32
        %dma_wait3A_271 = tpu.memref_slice %arg2[%dma_wait3A_269, %dma_wait3A_270] : memref<400000x64xf32, #tpu.memory_space<hbm>> -> memref<400000x64xf32, #tpu.memory_space<hbm>>
        tpu.wait_indirect_dma semaphore(%arg9 : memref<!tpu.dma_semaphore, #tpu.memory_space<semaphore_mem>>) src(%dma_wait3A_271 : memref<400000x64xf32, #tpu.memory_space<hbm>>) dst(%dma_wait3A_266 : memref<64x64xf32, #tpu.memory_space<vmem>>)
        %dma_wait3A_272 = arith.constant 704 : i32
        %dma_wait3A_273 = arith.constant 0 : i32
        %dma_wait3A_274 = tpu.memref_slice %arg7[%dma_wait3A_272, %dma_wait3A_273] : memref<960x64xf32, #tpu.memory_space<vmem>> -> memref<64x64xf32, #tpu.memory_space<vmem>>
        %dma_wait3A_275 = arith.constant 704 : i32
        %dma_wait3A_276 = tpu.memref_slice %arg5[%dma_wait3A_275] : memref<960xi32, #tpu.memory_space<vmem>> -> memref<64xi32, #tpu.memory_space<vmem>>
        %dma_wait3A_277 = arith.constant 0 : i32
        %dma_wait3A_278 = arith.constant 0 : i32
        %dma_wait3A_279 = tpu.memref_slice %arg2[%dma_wait3A_277, %dma_wait3A_278] : memref<400000x64xf32, #tpu.memory_space<hbm>> -> memref<400000x64xf32, #tpu.memory_space<hbm>>
        tpu.wait_indirect_dma semaphore(%arg9 : memref<!tpu.dma_semaphore, #tpu.memory_space<semaphore_mem>>) src(%dma_wait3A_279 : memref<400000x64xf32, #tpu.memory_space<hbm>>) dst(%dma_wait3A_274 : memref<64x64xf32, #tpu.memory_space<vmem>>)
        %dma_wait3A_280 = arith.constant 768 : i32
        %dma_wait3A_281 = arith.constant 0 : i32
        %dma_wait3A_282 = tpu.memref_slice %arg7[%dma_wait3A_280, %dma_wait3A_281] : memref<960x64xf32, #tpu.memory_space<vmem>> -> memref<64x64xf32, #tpu.memory_space<vmem>>
        %dma_wait3A_283 = arith.constant 768 : i32
        %dma_wait3A_284 = tpu.memref_slice %arg5[%dma_wait3A_283] : memref<960xi32, #tpu.memory_space<vmem>> -> memref<64xi32, #tpu.memory_space<vmem>>
        %dma_wait3A_285 = arith.constant 0 : i32
        %dma_wait3A_286 = arith.constant 0 : i32
        %dma_wait3A_287 = tpu.memref_slice %arg2[%dma_wait3A_285, %dma_wait3A_286] : memref<400000x64xf32, #tpu.memory_space<hbm>> -> memref<400000x64xf32, #tpu.memory_space<hbm>>
        tpu.wait_indirect_dma semaphore(%arg9 : memref<!tpu.dma_semaphore, #tpu.memory_space<semaphore_mem>>) src(%dma_wait3A_287 : memref<400000x64xf32, #tpu.memory_space<hbm>>) dst(%dma_wait3A_282 : memref<64x64xf32, #tpu.memory_space<vmem>>)
        %dma_wait3A_288 = arith.constant 832 : i32
        %dma_wait3A_289 = arith.constant 0 : i32
        %dma_wait3A_290 = tpu.memref_slice %arg7[%dma_wait3A_288, %dma_wait3A_289] : memref<960x64xf32, #tpu.memory_space<vmem>> -> memref<64x64xf32, #tpu.memory_space<vmem>>
        %dma_wait3A_291 = arith.constant 832 : i32
        %dma_wait3A_292 = tpu.memref_slice %arg5[%dma_wait3A_291] : memref<960xi32, #tpu.memory_space<vmem>> -> memref<64xi32, #tpu.memory_space<vmem>>
        %dma_wait3A_293 = arith.constant 0 : i32
        %dma_wait3A_294 = arith.constant 0 : i32
        %dma_wait3A_295 = tpu.memref_slice %arg2[%dma_wait3A_293, %dma_wait3A_294] : memref<400000x64xf32, #tpu.memory_space<hbm>> -> memref<400000x64xf32, #tpu.memory_space<hbm>>
        tpu.wait_indirect_dma semaphore(%arg9 : memref<!tpu.dma_semaphore, #tpu.memory_space<semaphore_mem>>) src(%dma_wait3A_295 : memref<400000x64xf32, #tpu.memory_space<hbm>>) dst(%dma_wait3A_290 : memref<64x64xf32, #tpu.memory_space<vmem>>)
        %dma_wait3A_296 = arith.constant 896 : i32
        %dma_wait3A_297 = arith.constant 0 : i32
        %dma_wait3A_298 = tpu.memref_slice %arg7[%dma_wait3A_296, %dma_wait3A_297] : memref<960x64xf32, #tpu.memory_space<vmem>> -> memref<64x64xf32, #tpu.memory_space<vmem>>
        %dma_wait3A_299 = arith.constant 896 : i32
        %dma_wait3A_300 = tpu.memref_slice %arg5[%dma_wait3A_299] : memref<960xi32, #tpu.memory_space<vmem>> -> memref<64xi32, #tpu.memory_space<vmem>>
        %dma_wait3A_301 = arith.constant 0 : i32
        %dma_wait3A_302 = arith.constant 0 : i32
        %dma_wait3A_303 = tpu.memref_slice %arg2[%dma_wait3A_301, %dma_wait3A_302] : memref<400000x64xf32, #tpu.memory_space<hbm>> -> memref<400000x64xf32, #tpu.memory_space<hbm>>
        tpu.wait_indirect_dma semaphore(%arg9 : memref<!tpu.dma_semaphore, #tpu.memory_space<semaphore_mem>>) src(%dma_wait3A_303 : memref<400000x64xf32, #tpu.memory_space<hbm>>) dst(%dma_wait3A_298 : memref<64x64xf32, #tpu.memory_space<vmem>>)
        %dma_start3A_304 = arith.constant 0 : i32
        %dma_start3A_305 = tpu.memref_slice %arg4[%mul3A_46, %dma_start3A_304] : memref<600000x128xf32, #tpu.memory_space<hbm>> -> memref<960x64xf32, #tpu.memory_space<hbm>>
        %dma_start3A_306 = arith.constant 0 : i32
        %dma_start3A_307 = tpu.memref_slice %arg4[%mul3A_46, %dma_start3A_306] : memref<600000x128xf32, #tpu.memory_space<hbm>> -> memref<960x64xf32, #tpu.memory_space<hbm>>
        tpu.enqueue_dma source(%arg7 : memref<960x64xf32, #tpu.memory_space<vmem>>) target(%dma_start3A_307 : memref<960x64xf32, #tpu.memory_space<hbm>>) target_semaphore(%arg10 : memref<!tpu.dma_semaphore, #tpu.memory_space<semaphore_mem>>)
      } else {
      }
      %mul3A_48 = arith.constant 2 : i32
      %mul3A_49 = arith.muli %mul3A_48, %scan3A_39 : i32
      %add3A_50 = arith.constant 1 : i32
      %add3A_51 = arith.addi %mul3A_49, %add3A_50 : i32
      %mul3A_52 = arith.constant 32 : i32
      %mul3A_53 = arith.muli %add3A_51, %mul3A_52 : i32
      %add3A_54 = arith.addi %add3A, %mul3A_53 : i32
      %mul3A_55 = arith.constant 960 : i32
      %mul3A_56 = arith.muli %add3A_54, %mul3A_55 : i32
      %lt3A_57 = arith.cmpi slt, %add3A_51, %select_n3A : i32
      %convert_element_type3A_58 = arith.extui %lt3A_57 : i1 to i32
      %cond3A_59 = arith.constant 0 : i32
      %cond3A_60 = arith.cmpi ne, %convert_element_type3A_58, %cond3A_59 : i32
      scf.if %cond3A_60 {
        %ge3A = arith.constant 2 : i32
        %ge3A_61 = arith.cmpi sge, %add3A_51, %ge3A : i32
        %convert_element_type3A_62 = arith.extui %ge3A_61 : i1 to i32
        %cond3A_63 = arith.constant 0 : i32
        %cond3A_64 = arith.cmpi ne, %convert_element_type3A_62, %cond3A_63 : i32
        scf.if %cond3A_64 {
          %dma_wait3A_308 = arith.constant 0 : i32
          %dma_wait3A_309 = arith.constant 0 : i32
          %dma_wait3A_310 = tpu.memref_slice %arg4[%dma_wait3A_308, %dma_wait3A_309] : memref<600000x128xf32, #tpu.memory_space<hbm>> -> memref<960x64xf32, #tpu.memory_space<hbm>>
          %dma_wait3A_311 = arith.constant 0 : i32
          %dma_wait3A_312 = arith.constant 0 : i32
          %dma_wait3A_313 = tpu.memref_slice %arg4[%dma_wait3A_311, %dma_wait3A_312] : memref<600000x128xf32, #tpu.memory_space<hbm>> -> memref<960x64xf32, #tpu.memory_space<hbm>>
          tpu.wait_dma2 semaphore(%arg11 : memref<!tpu.dma_semaphore, #tpu.memory_space<semaphore_mem>>) src(%arg8 : memref<960x64xf32, #tpu.memory_space<vmem>>) dst(%dma_wait3A_313 : memref<960x64xf32, #tpu.memory_space<hbm>>)
        } else {
        }
        "tpu.region"() ({
          %run_scoped3A = tpu.sem_alloc : memref<!tpu.dma_semaphore, #tpu.memory_space<semaphore_mem>>
          %dma_start3A_308 = tpu.memref_slice %arg3[%mul3A_56] : memref<600000xi32, #tpu.memory_space<hbm>> -> memref<960xi32, #tpu.memory_space<hbm>>
          %dma_start3A_309 = tpu.memref_slice %arg3[%mul3A_56] : memref<600000xi32, #tpu.memory_space<hbm>> -> memref<960xi32, #tpu.memory_space<hbm>>
          tpu.enqueue_dma source(%dma_start3A_309 : memref<960xi32, #tpu.memory_space<hbm>>) target(%arg6 : memref<960xi32, #tpu.memory_space<vmem>>) target_semaphore(%run_scoped3A : memref<!tpu.dma_semaphore, #tpu.memory_space<semaphore_mem>>)
          %dma_wait3A_310 = tpu.memref_slice %arg3[%mul3A_56] : memref<600000xi32, #tpu.memory_space<hbm>> -> memref<960xi32, #tpu.memory_space<hbm>>
          %dma_wait3A_311 = tpu.memref_slice %arg3[%mul3A_56] : memref<600000xi32, #tpu.memory_space<hbm>> -> memref<960xi32, #tpu.memory_space<hbm>>
          tpu.wait_dma2 semaphore(%run_scoped3A : memref<!tpu.dma_semaphore, #tpu.memory_space<semaphore_mem>>) src(%dma_wait3A_311 : memref<960xi32, #tpu.memory_space<hbm>>) dst(%arg6 : memref<960xi32, #tpu.memory_space<vmem>>)
          tpu.yield
        }) : () -> ()
        %dma_start3A = arith.constant 0 : i32
        %dma_start3A_65 = arith.constant 0 : i32
        %dma_start3A_66 = tpu.memref_slice %arg8[%dma_start3A, %dma_start3A_65] : memref<960x64xf32, #tpu.memory_space<vmem>> -> memref<64x64xf32, #tpu.memory_space<vmem>>
        %dma_start3A_67 = arith.constant 0 : i32
        %dma_start3A_68 = tpu.memref_slice %arg6[%dma_start3A_67] : memref<960xi32, #tpu.memory_space<vmem>> -> memref<64xi32, #tpu.memory_space<vmem>>
        %dma_start3A_69 = arith.constant 0 : i32
        %dma_start3A_70 = arith.constant 0 : i32
        %dma_start3A_71 = tpu.memref_slice %arg2[%dma_start3A_69, %dma_start3A_70] : memref<400000x64xf32, #tpu.memory_space<hbm>> -> memref<400000x64xf32, #tpu.memory_space<hbm>>
        tpu.enqueue_indirect_dma source(%dma_start3A_71 : memref<400000x64xf32, #tpu.memory_space<hbm>>) target(%dma_start3A_66 : memref<64x64xf32, #tpu.memory_space<vmem>>) offsets(%dma_start3A_68 : memref<64xi32, #tpu.memory_space<vmem>>) semaphore(%arg9 : memref<!tpu.dma_semaphore, #tpu.memory_space<semaphore_mem>>)
        %dma_start3A_72 = arith.constant 64 : i32
        %dma_start3A_73 = arith.constant 0 : i32
        %dma_start3A_74 = tpu.memref_slice %arg8[%dma_start3A_72, %dma_start3A_73] : memref<960x64xf32, #tpu.memory_space<vmem>> -> memref<64x64xf32, #tpu.memory_space<vmem>>
        %dma_start3A_75 = arith.constant 64 : i32
        %dma_start3A_76 = tpu.memref_slice %arg6[%dma_start3A_75] : memref<960xi32, #tpu.memory_space<vmem>> -> memref<64xi32, #tpu.memory_space<vmem>>
        %dma_start3A_77 = arith.constant 0 : i32
        %dma_start3A_78 = arith.constant 0 : i32
        %dma_start3A_79 = tpu.memref_slice %arg2[%dma_start3A_77, %dma_start3A_78] : memref<400000x64xf32, #tpu.memory_space<hbm>> -> memref<400000x64xf32, #tpu.memory_space<hbm>>
        tpu.enqueue_indirect_dma source(%dma_start3A_79 : memref<400000x64xf32, #tpu.memory_space<hbm>>) target(%dma_start3A_74 : memref<64x64xf32, #tpu.memory_space<vmem>>) offsets(%dma_start3A_76 : memref<64xi32, #tpu.memory_space<vmem>>) semaphore(%arg9 : memref<!tpu.dma_semaphore, #tpu.memory_space<semaphore_mem>>)
        %dma_start3A_80 = arith.constant 128 : i32
        %dma_start3A_81 = arith.constant 0 : i32
        %dma_start3A_82 = tpu.memref_slice %arg8[%dma_start3A_80, %dma_start3A_81] : memref<960x64xf32, #tpu.memory_space<vmem>> -> memref<64x64xf32, #tpu.memory_space<vmem>>
        %dma_start3A_83 = arith.constant 128 : i32
        %dma_start3A_84 = tpu.memref_slice %arg6[%dma_start3A_83] : memref<960xi32, #tpu.memory_space<vmem>> -> memref<64xi32, #tpu.memory_space<vmem>>
        %dma_start3A_85 = arith.constant 0 : i32
        %dma_start3A_86 = arith.constant 0 : i32
        %dma_start3A_87 = tpu.memref_slice %arg2[%dma_start3A_85, %dma_start3A_86] : memref<400000x64xf32, #tpu.memory_space<hbm>> -> memref<400000x64xf32, #tpu.memory_space<hbm>>
        tpu.enqueue_indirect_dma source(%dma_start3A_87 : memref<400000x64xf32, #tpu.memory_space<hbm>>) target(%dma_start3A_82 : memref<64x64xf32, #tpu.memory_space<vmem>>) offsets(%dma_start3A_84 : memref<64xi32, #tpu.memory_space<vmem>>) semaphore(%arg9 : memref<!tpu.dma_semaphore, #tpu.memory_space<semaphore_mem>>)
        %dma_start3A_88 = arith.constant 192 : i32
        %dma_start3A_89 = arith.constant 0 : i32
        %dma_start3A_90 = tpu.memref_slice %arg8[%dma_start3A_88, %dma_start3A_89] : memref<960x64xf32, #tpu.memory_space<vmem>> -> memref<64x64xf32, #tpu.memory_space<vmem>>
        %dma_start3A_91 = arith.constant 192 : i32
        %dma_start3A_92 = tpu.memref_slice %arg6[%dma_start3A_91] : memref<960xi32, #tpu.memory_space<vmem>> -> memref<64xi32, #tpu.memory_space<vmem>>
        %dma_start3A_93 = arith.constant 0 : i32
        %dma_start3A_94 = arith.constant 0 : i32
        %dma_start3A_95 = tpu.memref_slice %arg2[%dma_start3A_93, %dma_start3A_94] : memref<400000x64xf32, #tpu.memory_space<hbm>> -> memref<400000x64xf32, #tpu.memory_space<hbm>>
        tpu.enqueue_indirect_dma source(%dma_start3A_95 : memref<400000x64xf32, #tpu.memory_space<hbm>>) target(%dma_start3A_90 : memref<64x64xf32, #tpu.memory_space<vmem>>) offsets(%dma_start3A_92 : memref<64xi32, #tpu.memory_space<vmem>>) semaphore(%arg9 : memref<!tpu.dma_semaphore, #tpu.memory_space<semaphore_mem>>)
        %dma_start3A_96 = arith.constant 256 : i32
        %dma_start3A_97 = arith.constant 0 : i32
        %dma_start3A_98 = tpu.memref_slice %arg8[%dma_start3A_96, %dma_start3A_97] : memref<960x64xf32, #tpu.memory_space<vmem>> -> memref<64x64xf32, #tpu.memory_space<vmem>>
        %dma_start3A_99 = arith.constant 256 : i32
        %dma_start3A_100 = tpu.memref_slice %arg6[%dma_start3A_99] : memref<960xi32, #tpu.memory_space<vmem>> -> memref<64xi32, #tpu.memory_space<vmem>>
        %dma_start3A_101 = arith.constant 0 : i32
        %dma_start3A_102 = arith.constant 0 : i32
        %dma_start3A_103 = tpu.memref_slice %arg2[%dma_start3A_101, %dma_start3A_102] : memref<400000x64xf32, #tpu.memory_space<hbm>> -> memref<400000x64xf32, #tpu.memory_space<hbm>>
        tpu.enqueue_indirect_dma source(%dma_start3A_103 : memref<400000x64xf32, #tpu.memory_space<hbm>>) target(%dma_start3A_98 : memref<64x64xf32, #tpu.memory_space<vmem>>) offsets(%dma_start3A_100 : memref<64xi32, #tpu.memory_space<vmem>>) semaphore(%arg9 : memref<!tpu.dma_semaphore, #tpu.memory_space<semaphore_mem>>)
        %dma_start3A_104 = arith.constant 320 : i32
        %dma_start3A_105 = arith.constant 0 : i32
        %dma_start3A_106 = tpu.memref_slice %arg8[%dma_start3A_104, %dma_start3A_105] : memref<960x64xf32, #tpu.memory_space<vmem>> -> memref<64x64xf32, #tpu.memory_space<vmem>>
        %dma_start3A_107 = arith.constant 320 : i32
        %dma_start3A_108 = tpu.memref_slice %arg6[%dma_start3A_107] : memref<960xi32, #tpu.memory_space<vmem>> -> memref<64xi32, #tpu.memory_space<vmem>>
        %dma_start3A_109 = arith.constant 0 : i32
        %dma_start3A_110 = arith.constant 0 : i32
        %dma_start3A_111 = tpu.memref_slice %arg2[%dma_start3A_109, %dma_start3A_110] : memref<400000x64xf32, #tpu.memory_space<hbm>> -> memref<400000x64xf32, #tpu.memory_space<hbm>>
        tpu.enqueue_indirect_dma source(%dma_start3A_111 : memref<400000x64xf32, #tpu.memory_space<hbm>>) target(%dma_start3A_106 : memref<64x64xf32, #tpu.memory_space<vmem>>) offsets(%dma_start3A_108 : memref<64xi32, #tpu.memory_space<vmem>>) semaphore(%arg9 : memref<!tpu.dma_semaphore, #tpu.memory_space<semaphore_mem>>)
        %dma_start3A_112 = arith.constant 384 : i32
        %dma_start3A_113 = arith.constant 0 : i32
        %dma_start3A_114 = tpu.memref_slice %arg8[%dma_start3A_112, %dma_start3A_113] : memref<960x64xf32, #tpu.memory_space<vmem>> -> memref<64x64xf32, #tpu.memory_space<vmem>>
        %dma_start3A_115 = arith.constant 384 : i32
        %dma_start3A_116 = tpu.memref_slice %arg6[%dma_start3A_115] : memref<960xi32, #tpu.memory_space<vmem>> -> memref<64xi32, #tpu.memory_space<vmem>>
        %dma_start3A_117 = arith.constant 0 : i32
        %dma_start3A_118 = arith.constant 0 : i32
        %dma_start3A_119 = tpu.memref_slice %arg2[%dma_start3A_117, %dma_start3A_118] : memref<400000x64xf32, #tpu.memory_space<hbm>> -> memref<400000x64xf32, #tpu.memory_space<hbm>>
        tpu.enqueue_indirect_dma source(%dma_start3A_119 : memref<400000x64xf32, #tpu.memory_space<hbm>>) target(%dma_start3A_114 : memref<64x64xf32, #tpu.memory_space<vmem>>) offsets(%dma_start3A_116 : memref<64xi32, #tpu.memory_space<vmem>>) semaphore(%arg9 : memref<!tpu.dma_semaphore, #tpu.memory_space<semaphore_mem>>)
        %dma_start3A_120 = arith.constant 448 : i32
        %dma_start3A_121 = arith.constant 0 : i32
        %dma_start3A_122 = tpu.memref_slice %arg8[%dma_start3A_120, %dma_start3A_121] : memref<960x64xf32, #tpu.memory_space<vmem>> -> memref<64x64xf32, #tpu.memory_space<vmem>>
        %dma_start3A_123 = arith.constant 448 : i32
        %dma_start3A_124 = tpu.memref_slice %arg6[%dma_start3A_123] : memref<960xi32, #tpu.memory_space<vmem>> -> memref<64xi32, #tpu.memory_space<vmem>>
        %dma_start3A_125 = arith.constant 0 : i32
        %dma_start3A_126 = arith.constant 0 : i32
        %dma_start3A_127 = tpu.memref_slice %arg2[%dma_start3A_125, %dma_start3A_126] : memref<400000x64xf32, #tpu.memory_space<hbm>> -> memref<400000x64xf32, #tpu.memory_space<hbm>>
        tpu.enqueue_indirect_dma source(%dma_start3A_127 : memref<400000x64xf32, #tpu.memory_space<hbm>>) target(%dma_start3A_122 : memref<64x64xf32, #tpu.memory_space<vmem>>) offsets(%dma_start3A_124 : memref<64xi32, #tpu.memory_space<vmem>>) semaphore(%arg9 : memref<!tpu.dma_semaphore, #tpu.memory_space<semaphore_mem>>)
        %dma_start3A_128 = arith.constant 512 : i32
        %dma_start3A_129 = arith.constant 0 : i32
        %dma_start3A_130 = tpu.memref_slice %arg8[%dma_start3A_128, %dma_start3A_129] : memref<960x64xf32, #tpu.memory_space<vmem>> -> memref<64x64xf32, #tpu.memory_space<vmem>>
        %dma_start3A_131 = arith.constant 512 : i32
        %dma_start3A_132 = tpu.memref_slice %arg6[%dma_start3A_131] : memref<960xi32, #tpu.memory_space<vmem>> -> memref<64xi32, #tpu.memory_space<vmem>>
        %dma_start3A_133 = arith.constant 0 : i32
        %dma_start3A_134 = arith.constant 0 : i32
        %dma_start3A_135 = tpu.memref_slice %arg2[%dma_start3A_133, %dma_start3A_134] : memref<400000x64xf32, #tpu.memory_space<hbm>> -> memref<400000x64xf32, #tpu.memory_space<hbm>>
        tpu.enqueue_indirect_dma source(%dma_start3A_135 : memref<400000x64xf32, #tpu.memory_space<hbm>>) target(%dma_start3A_130 : memref<64x64xf32, #tpu.memory_space<vmem>>) offsets(%dma_start3A_132 : memref<64xi32, #tpu.memory_space<vmem>>) semaphore(%arg9 : memref<!tpu.dma_semaphore, #tpu.memory_space<semaphore_mem>>)
        %dma_start3A_136 = arith.constant 576 : i32
        %dma_start3A_137 = arith.constant 0 : i32
        %dma_start3A_138 = tpu.memref_slice %arg8[%dma_start3A_136, %dma_start3A_137] : memref<960x64xf32, #tpu.memory_space<vmem>> -> memref<64x64xf32, #tpu.memory_space<vmem>>
        %dma_start3A_139 = arith.constant 576 : i32
        %dma_start3A_140 = tpu.memref_slice %arg6[%dma_start3A_139] : memref<960xi32, #tpu.memory_space<vmem>> -> memref<64xi32, #tpu.memory_space<vmem>>
        %dma_start3A_141 = arith.constant 0 : i32
        %dma_start3A_142 = arith.constant 0 : i32
        %dma_start3A_143 = tpu.memref_slice %arg2[%dma_start3A_141, %dma_start3A_142] : memref<400000x64xf32, #tpu.memory_space<hbm>> -> memref<400000x64xf32, #tpu.memory_space<hbm>>
        tpu.enqueue_indirect_dma source(%dma_start3A_143 : memref<400000x64xf32, #tpu.memory_space<hbm>>) target(%dma_start3A_138 : memref<64x64xf32, #tpu.memory_space<vmem>>) offsets(%dma_start3A_140 : memref<64xi32, #tpu.memory_space<vmem>>) semaphore(%arg9 : memref<!tpu.dma_semaphore, #tpu.memory_space<semaphore_mem>>)
        %dma_start3A_144 = arith.constant 640 : i32
        %dma_start3A_145 = arith.constant 0 : i32
        %dma_start3A_146 = tpu.memref_slice %arg8[%dma_start3A_144, %dma_start3A_145] : memref<960x64xf32, #tpu.memory_space<vmem>> -> memref<64x64xf32, #tpu.memory_space<vmem>>
        %dma_start3A_147 = arith.constant 640 : i32
        %dma_start3A_148 = tpu.memref_slice %arg6[%dma_start3A_147] : memref<960xi32, #tpu.memory_space<vmem>> -> memref<64xi32, #tpu.memory_space<vmem>>
        %dma_start3A_149 = arith.constant 0 : i32
        %dma_start3A_150 = arith.constant 0 : i32
        %dma_start3A_151 = tpu.memref_slice %arg2[%dma_start3A_149, %dma_start3A_150] : memref<400000x64xf32, #tpu.memory_space<hbm>> -> memref<400000x64xf32, #tpu.memory_space<hbm>>
        tpu.enqueue_indirect_dma source(%dma_start3A_151 : memref<400000x64xf32, #tpu.memory_space<hbm>>) target(%dma_start3A_146 : memref<64x64xf32, #tpu.memory_space<vmem>>) offsets(%dma_start3A_148 : memref<64xi32, #tpu.memory_space<vmem>>) semaphore(%arg9 : memref<!tpu.dma_semaphore, #tpu.memory_space<semaphore_mem>>)
        %dma_start3A_152 = arith.constant 704 : i32
        %dma_start3A_153 = arith.constant 0 : i32
        %dma_start3A_154 = tpu.memref_slice %arg8[%dma_start3A_152, %dma_start3A_153] : memref<960x64xf32, #tpu.memory_space<vmem>> -> memref<64x64xf32, #tpu.memory_space<vmem>>
        %dma_start3A_155 = arith.constant 704 : i32
        %dma_start3A_156 = tpu.memref_slice %arg6[%dma_start3A_155] : memref<960xi32, #tpu.memory_space<vmem>> -> memref<64xi32, #tpu.memory_space<vmem>>
        %dma_start3A_157 = arith.constant 0 : i32
        %dma_start3A_158 = arith.constant 0 : i32
        %dma_start3A_159 = tpu.memref_slice %arg2[%dma_start3A_157, %dma_start3A_158] : memref<400000x64xf32, #tpu.memory_space<hbm>> -> memref<400000x64xf32, #tpu.memory_space<hbm>>
        tpu.enqueue_indirect_dma source(%dma_start3A_159 : memref<400000x64xf32, #tpu.memory_space<hbm>>) target(%dma_start3A_154 : memref<64x64xf32, #tpu.memory_space<vmem>>) offsets(%dma_start3A_156 : memref<64xi32, #tpu.memory_space<vmem>>) semaphore(%arg9 : memref<!tpu.dma_semaphore, #tpu.memory_space<semaphore_mem>>)
        %dma_start3A_160 = arith.constant 768 : i32
        %dma_start3A_161 = arith.constant 0 : i32
        %dma_start3A_162 = tpu.memref_slice %arg8[%dma_start3A_160, %dma_start3A_161] : memref<960x64xf32, #tpu.memory_space<vmem>> -> memref<64x64xf32, #tpu.memory_space<vmem>>
        %dma_start3A_163 = arith.constant 768 : i32
        %dma_start3A_164 = tpu.memref_slice %arg6[%dma_start3A_163] : memref<960xi32, #tpu.memory_space<vmem>> -> memref<64xi32, #tpu.memory_space<vmem>>
        %dma_start3A_165 = arith.constant 0 : i32
        %dma_start3A_166 = arith.constant 0 : i32
        %dma_start3A_167 = tpu.memref_slice %arg2[%dma_start3A_165, %dma_start3A_166] : memref<400000x64xf32, #tpu.memory_space<hbm>> -> memref<400000x64xf32, #tpu.memory_space<hbm>>
        tpu.enqueue_indirect_dma source(%dma_start3A_167 : memref<400000x64xf32, #tpu.memory_space<hbm>>) target(%dma_start3A_162 : memref<64x64xf32, #tpu.memory_space<vmem>>) offsets(%dma_start3A_164 : memref<64xi32, #tpu.memory_space<vmem>>) semaphore(%arg9 : memref<!tpu.dma_semaphore, #tpu.memory_space<semaphore_mem>>)
        %dma_start3A_168 = arith.constant 832 : i32
        %dma_start3A_169 = arith.constant 0 : i32
        %dma_start3A_170 = tpu.memref_slice %arg8[%dma_start3A_168, %dma_start3A_169] : memref<960x64xf32, #tpu.memory_space<vmem>> -> memref<64x64xf32, #tpu.memory_space<vmem>>
        %dma_start3A_171 = arith.constant 832 : i32
        %dma_start3A_172 = tpu.memref_slice %arg6[%dma_start3A_171] : memref<960xi32, #tpu.memory_space<vmem>> -> memref<64xi32, #tpu.memory_space<vmem>>
        %dma_start3A_173 = arith.constant 0 : i32
        %dma_start3A_174 = arith.constant 0 : i32
        %dma_start3A_175 = tpu.memref_slice %arg2[%dma_start3A_173, %dma_start3A_174] : memref<400000x64xf32, #tpu.memory_space<hbm>> -> memref<400000x64xf32, #tpu.memory_space<hbm>>
        tpu.enqueue_indirect_dma source(%dma_start3A_175 : memref<400000x64xf32, #tpu.memory_space<hbm>>) target(%dma_start3A_170 : memref<64x64xf32, #tpu.memory_space<vmem>>) offsets(%dma_start3A_172 : memref<64xi32, #tpu.memory_space<vmem>>) semaphore(%arg9 : memref<!tpu.dma_semaphore, #tpu.memory_space<semaphore_mem>>)
        %dma_start3A_176 = arith.constant 896 : i32
        %dma_start3A_177 = arith.constant 0 : i32
        %dma_start3A_178 = tpu.memref_slice %arg8[%dma_start3A_176, %dma_start3A_177] : memref<960x64xf32, #tpu.memory_space<vmem>> -> memref<64x64xf32, #tpu.memory_space<vmem>>
        %dma_start3A_179 = arith.constant 896 : i32
        %dma_start3A_180 = tpu.memref_slice %arg6[%dma_start3A_179] : memref<960xi32, #tpu.memory_space<vmem>> -> memref<64xi32, #tpu.memory_space<vmem>>
        %dma_start3A_181 = arith.constant 0 : i32
        %dma_start3A_182 = arith.constant 0 : i32
        %dma_start3A_183 = tpu.memref_slice %arg2[%dma_start3A_181, %dma_start3A_182] : memref<400000x64xf32, #tpu.memory_space<hbm>> -> memref<400000x64xf32, #tpu.memory_space<hbm>>
        tpu.enqueue_indirect_dma source(%dma_start3A_183 : memref<400000x64xf32, #tpu.memory_space<hbm>>) target(%dma_start3A_178 : memref<64x64xf32, #tpu.memory_space<vmem>>) offsets(%dma_start3A_180 : memref<64xi32, #tpu.memory_space<vmem>>) semaphore(%arg9 : memref<!tpu.dma_semaphore, #tpu.memory_space<semaphore_mem>>)
        %dma_wait3A_184 = arith.constant 0 : i32
        %dma_wait3A_185 = arith.constant 0 : i32
        %dma_wait3A_186 = tpu.memref_slice %arg8[%dma_wait3A_184, %dma_wait3A_185] : memref<960x64xf32, #tpu.memory_space<vmem>> -> memref<64x64xf32, #tpu.memory_space<vmem>>
        %dma_wait3A_187 = arith.constant 0 : i32
        %dma_wait3A_188 = tpu.memref_slice %arg6[%dma_wait3A_187] : memref<960xi32, #tpu.memory_space<vmem>> -> memref<64xi32, #tpu.memory_space<vmem>>
        %dma_wait3A_189 = arith.constant 0 : i32
        %dma_wait3A_190 = arith.constant 0 : i32
        %dma_wait3A_191 = tpu.memref_slice %arg2[%dma_wait3A_189, %dma_wait3A_190] : memref<400000x64xf32, #tpu.memory_space<hbm>> -> memref<400000x64xf32, #tpu.memory_space<hbm>>
        tpu.wait_indirect_dma semaphore(%arg9 : memref<!tpu.dma_semaphore, #tpu.memory_space<semaphore_mem>>) src(%dma_wait3A_191 : memref<400000x64xf32, #tpu.memory_space<hbm>>) dst(%dma_wait3A_186 : memref<64x64xf32, #tpu.memory_space<vmem>>)
        %dma_wait3A_192 = arith.constant 64 : i32
        %dma_wait3A_193 = arith.constant 0 : i32
        %dma_wait3A_194 = tpu.memref_slice %arg8[%dma_wait3A_192, %dma_wait3A_193] : memref<960x64xf32, #tpu.memory_space<vmem>> -> memref<64x64xf32, #tpu.memory_space<vmem>>
        %dma_wait3A_195 = arith.constant 64 : i32
        %dma_wait3A_196 = tpu.memref_slice %arg6[%dma_wait3A_195] : memref<960xi32, #tpu.memory_space<vmem>> -> memref<64xi32, #tpu.memory_space<vmem>>
        %dma_wait3A_197 = arith.constant 0 : i32
        %dma_wait3A_198 = arith.constant 0 : i32
        %dma_wait3A_199 = tpu.memref_slice %arg2[%dma_wait3A_197, %dma_wait3A_198] : memref<400000x64xf32, #tpu.memory_space<hbm>> -> memref<400000x64xf32, #tpu.memory_space<hbm>>
        tpu.wait_indirect_dma semaphore(%arg9 : memref<!tpu.dma_semaphore, #tpu.memory_space<semaphore_mem>>) src(%dma_wait3A_199 : memref<400000x64xf32, #tpu.memory_space<hbm>>) dst(%dma_wait3A_194 : memref<64x64xf32, #tpu.memory_space<vmem>>)
        %dma_wait3A_200 = arith.constant 128 : i32
        %dma_wait3A_201 = arith.constant 0 : i32
        %dma_wait3A_202 = tpu.memref_slice %arg8[%dma_wait3A_200, %dma_wait3A_201] : memref<960x64xf32, #tpu.memory_space<vmem>> -> memref<64x64xf32, #tpu.memory_space<vmem>>
        %dma_wait3A_203 = arith.constant 128 : i32
        %dma_wait3A_204 = tpu.memref_slice %arg6[%dma_wait3A_203] : memref<960xi32, #tpu.memory_space<vmem>> -> memref<64xi32, #tpu.memory_space<vmem>>
        %dma_wait3A_205 = arith.constant 0 : i32
        %dma_wait3A_206 = arith.constant 0 : i32
        %dma_wait3A_207 = tpu.memref_slice %arg2[%dma_wait3A_205, %dma_wait3A_206] : memref<400000x64xf32, #tpu.memory_space<hbm>> -> memref<400000x64xf32, #tpu.memory_space<hbm>>
        tpu.wait_indirect_dma semaphore(%arg9 : memref<!tpu.dma_semaphore, #tpu.memory_space<semaphore_mem>>) src(%dma_wait3A_207 : memref<400000x64xf32, #tpu.memory_space<hbm>>) dst(%dma_wait3A_202 : memref<64x64xf32, #tpu.memory_space<vmem>>)
        %dma_wait3A_208 = arith.constant 192 : i32
        %dma_wait3A_209 = arith.constant 0 : i32
        %dma_wait3A_210 = tpu.memref_slice %arg8[%dma_wait3A_208, %dma_wait3A_209] : memref<960x64xf32, #tpu.memory_space<vmem>> -> memref<64x64xf32, #tpu.memory_space<vmem>>
        %dma_wait3A_211 = arith.constant 192 : i32
        %dma_wait3A_212 = tpu.memref_slice %arg6[%dma_wait3A_211] : memref<960xi32, #tpu.memory_space<vmem>> -> memref<64xi32, #tpu.memory_space<vmem>>
        %dma_wait3A_213 = arith.constant 0 : i32
        %dma_wait3A_214 = arith.constant 0 : i32
        %dma_wait3A_215 = tpu.memref_slice %arg2[%dma_wait3A_213, %dma_wait3A_214] : memref<400000x64xf32, #tpu.memory_space<hbm>> -> memref<400000x64xf32, #tpu.memory_space<hbm>>
        tpu.wait_indirect_dma semaphore(%arg9 : memref<!tpu.dma_semaphore, #tpu.memory_space<semaphore_mem>>) src(%dma_wait3A_215 : memref<400000x64xf32, #tpu.memory_space<hbm>>) dst(%dma_wait3A_210 : memref<64x64xf32, #tpu.memory_space<vmem>>)
        %dma_wait3A_216 = arith.constant 256 : i32
        %dma_wait3A_217 = arith.constant 0 : i32
        %dma_wait3A_218 = tpu.memref_slice %arg8[%dma_wait3A_216, %dma_wait3A_217] : memref<960x64xf32, #tpu.memory_space<vmem>> -> memref<64x64xf32, #tpu.memory_space<vmem>>
        %dma_wait3A_219 = arith.constant 256 : i32
        %dma_wait3A_220 = tpu.memref_slice %arg6[%dma_wait3A_219] : memref<960xi32, #tpu.memory_space<vmem>> -> memref<64xi32, #tpu.memory_space<vmem>>
        %dma_wait3A_221 = arith.constant 0 : i32
        %dma_wait3A_222 = arith.constant 0 : i32
        %dma_wait3A_223 = tpu.memref_slice %arg2[%dma_wait3A_221, %dma_wait3A_222] : memref<400000x64xf32, #tpu.memory_space<hbm>> -> memref<400000x64xf32, #tpu.memory_space<hbm>>
        tpu.wait_indirect_dma semaphore(%arg9 : memref<!tpu.dma_semaphore, #tpu.memory_space<semaphore_mem>>) src(%dma_wait3A_223 : memref<400000x64xf32, #tpu.memory_space<hbm>>) dst(%dma_wait3A_218 : memref<64x64xf32, #tpu.memory_space<vmem>>)
        %dma_wait3A_224 = arith.constant 320 : i32
        %dma_wait3A_225 = arith.constant 0 : i32
        %dma_wait3A_226 = tpu.memref_slice %arg8[%dma_wait3A_224, %dma_wait3A_225] : memref<960x64xf32, #tpu.memory_space<vmem>> -> memref<64x64xf32, #tpu.memory_space<vmem>>
        %dma_wait3A_227 = arith.constant 320 : i32
        %dma_wait3A_228 = tpu.memref_slice %arg6[%dma_wait3A_227] : memref<960xi32, #tpu.memory_space<vmem>> -> memref<64xi32, #tpu.memory_space<vmem>>
        %dma_wait3A_229 = arith.constant 0 : i32
        %dma_wait3A_230 = arith.constant 0 : i32
        %dma_wait3A_231 = tpu.memref_slice %arg2[%dma_wait3A_229, %dma_wait3A_230] : memref<400000x64xf32, #tpu.memory_space<hbm>> -> memref<400000x64xf32, #tpu.memory_space<hbm>>
        tpu.wait_indirect_dma semaphore(%arg9 : memref<!tpu.dma_semaphore, #tpu.memory_space<semaphore_mem>>) src(%dma_wait3A_231 : memref<400000x64xf32, #tpu.memory_space<hbm>>) dst(%dma_wait3A_226 : memref<64x64xf32, #tpu.memory_space<vmem>>)
        %dma_wait3A_232 = arith.constant 384 : i32
        %dma_wait3A_233 = arith.constant 0 : i32
        %dma_wait3A_234 = tpu.memref_slice %arg8[%dma_wait3A_232, %dma_wait3A_233] : memref<960x64xf32, #tpu.memory_space<vmem>> -> memref<64x64xf32, #tpu.memory_space<vmem>>
        %dma_wait3A_235 = arith.constant 384 : i32
        %dma_wait3A_236 = tpu.memref_slice %arg6[%dma_wait3A_235] : memref<960xi32, #tpu.memory_space<vmem>> -> memref<64xi32, #tpu.memory_space<vmem>>
        %dma_wait3A_237 = arith.constant 0 : i32
        %dma_wait3A_238 = arith.constant 0 : i32
        %dma_wait3A_239 = tpu.memref_slice %arg2[%dma_wait3A_237, %dma_wait3A_238] : memref<400000x64xf32, #tpu.memory_space<hbm>> -> memref<400000x64xf32, #tpu.memory_space<hbm>>
        tpu.wait_indirect_dma semaphore(%arg9 : memref<!tpu.dma_semaphore, #tpu.memory_space<semaphore_mem>>) src(%dma_wait3A_239 : memref<400000x64xf32, #tpu.memory_space<hbm>>) dst(%dma_wait3A_234 : memref<64x64xf32, #tpu.memory_space<vmem>>)
        %dma_wait3A_240 = arith.constant 448 : i32
        %dma_wait3A_241 = arith.constant 0 : i32
        %dma_wait3A_242 = tpu.memref_slice %arg8[%dma_wait3A_240, %dma_wait3A_241] : memref<960x64xf32, #tpu.memory_space<vmem>> -> memref<64x64xf32, #tpu.memory_space<vmem>>
        %dma_wait3A_243 = arith.constant 448 : i32
        %dma_wait3A_244 = tpu.memref_slice %arg6[%dma_wait3A_243] : memref<960xi32, #tpu.memory_space<vmem>> -> memref<64xi32, #tpu.memory_space<vmem>>
        %dma_wait3A_245 = arith.constant 0 : i32
        %dma_wait3A_246 = arith.constant 0 : i32
        %dma_wait3A_247 = tpu.memref_slice %arg2[%dma_wait3A_245, %dma_wait3A_246] : memref<400000x64xf32, #tpu.memory_space<hbm>> -> memref<400000x64xf32, #tpu.memory_space<hbm>>
        tpu.wait_indirect_dma semaphore(%arg9 : memref<!tpu.dma_semaphore, #tpu.memory_space<semaphore_mem>>) src(%dma_wait3A_247 : memref<400000x64xf32, #tpu.memory_space<hbm>>) dst(%dma_wait3A_242 : memref<64x64xf32, #tpu.memory_space<vmem>>)
        %dma_wait3A_248 = arith.constant 512 : i32
        %dma_wait3A_249 = arith.constant 0 : i32
        %dma_wait3A_250 = tpu.memref_slice %arg8[%dma_wait3A_248, %dma_wait3A_249] : memref<960x64xf32, #tpu.memory_space<vmem>> -> memref<64x64xf32, #tpu.memory_space<vmem>>
        %dma_wait3A_251 = arith.constant 512 : i32
        %dma_wait3A_252 = tpu.memref_slice %arg6[%dma_wait3A_251] : memref<960xi32, #tpu.memory_space<vmem>> -> memref<64xi32, #tpu.memory_space<vmem>>
        %dma_wait3A_253 = arith.constant 0 : i32
        %dma_wait3A_254 = arith.constant 0 : i32
        %dma_wait3A_255 = tpu.memref_slice %arg2[%dma_wait3A_253, %dma_wait3A_254] : memref<400000x64xf32, #tpu.memory_space<hbm>> -> memref<400000x64xf32, #tpu.memory_space<hbm>>
        tpu.wait_indirect_dma semaphore(%arg9 : memref<!tpu.dma_semaphore, #tpu.memory_space<semaphore_mem>>) src(%dma_wait3A_255 : memref<400000x64xf32, #tpu.memory_space<hbm>>) dst(%dma_wait3A_250 : memref<64x64xf32, #tpu.memory_space<vmem>>)
        %dma_wait3A_256 = arith.constant 576 : i32
        %dma_wait3A_257 = arith.constant 0 : i32
        %dma_wait3A_258 = tpu.memref_slice %arg8[%dma_wait3A_256, %dma_wait3A_257] : memref<960x64xf32, #tpu.memory_space<vmem>> -> memref<64x64xf32, #tpu.memory_space<vmem>>
        %dma_wait3A_259 = arith.constant 576 : i32
        %dma_wait3A_260 = tpu.memref_slice %arg6[%dma_wait3A_259] : memref<960xi32, #tpu.memory_space<vmem>> -> memref<64xi32, #tpu.memory_space<vmem>>
        %dma_wait3A_261 = arith.constant 0 : i32
        %dma_wait3A_262 = arith.constant 0 : i32
        %dma_wait3A_263 = tpu.memref_slice %arg2[%dma_wait3A_261, %dma_wait3A_262] : memref<400000x64xf32, #tpu.memory_space<hbm>> -> memref<400000x64xf32, #tpu.memory_space<hbm>>
        tpu.wait_indirect_dma semaphore(%arg9 : memref<!tpu.dma_semaphore, #tpu.memory_space<semaphore_mem>>) src(%dma_wait3A_263 : memref<400000x64xf32, #tpu.memory_space<hbm>>) dst(%dma_wait3A_258 : memref<64x64xf32, #tpu.memory_space<vmem>>)
        %dma_wait3A_264 = arith.constant 640 : i32
        %dma_wait3A_265 = arith.constant 0 : i32
        %dma_wait3A_266 = tpu.memref_slice %arg8[%dma_wait3A_264, %dma_wait3A_265] : memref<960x64xf32, #tpu.memory_space<vmem>> -> memref<64x64xf32, #tpu.memory_space<vmem>>
        %dma_wait3A_267 = arith.constant 640 : i32
        %dma_wait3A_268 = tpu.memref_slice %arg6[%dma_wait3A_267] : memref<960xi32, #tpu.memory_space<vmem>> -> memref<64xi32, #tpu.memory_space<vmem>>
        %dma_wait3A_269 = arith.constant 0 : i32
        %dma_wait3A_270 = arith.constant 0 : i32
        %dma_wait3A_271 = tpu.memref_slice %arg2[%dma_wait3A_269, %dma_wait3A_270] : memref<400000x64xf32, #tpu.memory_space<hbm>> -> memref<400000x64xf32, #tpu.memory_space<hbm>>
        tpu.wait_indirect_dma semaphore(%arg9 : memref<!tpu.dma_semaphore, #tpu.memory_space<semaphore_mem>>) src(%dma_wait3A_271 : memref<400000x64xf32, #tpu.memory_space<hbm>>) dst(%dma_wait3A_266 : memref<64x64xf32, #tpu.memory_space<vmem>>)
        %dma_wait3A_272 = arith.constant 704 : i32
        %dma_wait3A_273 = arith.constant 0 : i32
        %dma_wait3A_274 = tpu.memref_slice %arg8[%dma_wait3A_272, %dma_wait3A_273] : memref<960x64xf32, #tpu.memory_space<vmem>> -> memref<64x64xf32, #tpu.memory_space<vmem>>
        %dma_wait3A_275 = arith.constant 704 : i32
        %dma_wait3A_276 = tpu.memref_slice %arg6[%dma_wait3A_275] : memref<960xi32, #tpu.memory_space<vmem>> -> memref<64xi32, #tpu.memory_space<vmem>>
        %dma_wait3A_277 = arith.constant 0 : i32
        %dma_wait3A_278 = arith.constant 0 : i32
        %dma_wait3A_279 = tpu.memref_slice %arg2[%dma_wait3A_277, %dma_wait3A_278] : memref<400000x64xf32, #tpu.memory_space<hbm>> -> memref<400000x64xf32, #tpu.memory_space<hbm>>
        tpu.wait_indirect_dma semaphore(%arg9 : memref<!tpu.dma_semaphore, #tpu.memory_space<semaphore_mem>>) src(%dma_wait3A_279 : memref<400000x64xf32, #tpu.memory_space<hbm>>) dst(%dma_wait3A_274 : memref<64x64xf32, #tpu.memory_space<vmem>>)
        %dma_wait3A_280 = arith.constant 768 : i32
        %dma_wait3A_281 = arith.constant 0 : i32
        %dma_wait3A_282 = tpu.memref_slice %arg8[%dma_wait3A_280, %dma_wait3A_281] : memref<960x64xf32, #tpu.memory_space<vmem>> -> memref<64x64xf32, #tpu.memory_space<vmem>>
        %dma_wait3A_283 = arith.constant 768 : i32
        %dma_wait3A_284 = tpu.memref_slice %arg6[%dma_wait3A_283] : memref<960xi32, #tpu.memory_space<vmem>> -> memref<64xi32, #tpu.memory_space<vmem>>
        %dma_wait3A_285 = arith.constant 0 : i32
        %dma_wait3A_286 = arith.constant 0 : i32
        %dma_wait3A_287 = tpu.memref_slice %arg2[%dma_wait3A_285, %dma_wait3A_286] : memref<400000x64xf32, #tpu.memory_space<hbm>> -> memref<400000x64xf32, #tpu.memory_space<hbm>>
        tpu.wait_indirect_dma semaphore(%arg9 : memref<!tpu.dma_semaphore, #tpu.memory_space<semaphore_mem>>) src(%dma_wait3A_287 : memref<400000x64xf32, #tpu.memory_space<hbm>>) dst(%dma_wait3A_282 : memref<64x64xf32, #tpu.memory_space<vmem>>)
        %dma_wait3A_288 = arith.constant 832 : i32
        %dma_wait3A_289 = arith.constant 0 : i32
        %dma_wait3A_290 = tpu.memref_slice %arg8[%dma_wait3A_288, %dma_wait3A_289] : memref<960x64xf32, #tpu.memory_space<vmem>> -> memref<64x64xf32, #tpu.memory_space<vmem>>
        %dma_wait3A_291 = arith.constant 832 : i32
        %dma_wait3A_292 = tpu.memref_slice %arg6[%dma_wait3A_291] : memref<960xi32, #tpu.memory_space<vmem>> -> memref<64xi32, #tpu.memory_space<vmem>>
        %dma_wait3A_293 = arith.constant 0 : i32
        %dma_wait3A_294 = arith.constant 0 : i32
        %dma_wait3A_295 = tpu.memref_slice %arg2[%dma_wait3A_293, %dma_wait3A_294] : memref<400000x64xf32, #tpu.memory_space<hbm>> -> memref<400000x64xf32, #tpu.memory_space<hbm>>
        tpu.wait_indirect_dma semaphore(%arg9 : memref<!tpu.dma_semaphore, #tpu.memory_space<semaphore_mem>>) src(%dma_wait3A_295 : memref<400000x64xf32, #tpu.memory_space<hbm>>) dst(%dma_wait3A_290 : memref<64x64xf32, #tpu.memory_space<vmem>>)
        %dma_wait3A_296 = arith.constant 896 : i32
        %dma_wait3A_297 = arith.constant 0 : i32
        %dma_wait3A_298 = tpu.memref_slice %arg8[%dma_wait3A_296, %dma_wait3A_297] : memref<960x64xf32, #tpu.memory_space<vmem>> -> memref<64x64xf32, #tpu.memory_space<vmem>>
        %dma_wait3A_299 = arith.constant 896 : i32
        %dma_wait3A_300 = tpu.memref_slice %arg6[%dma_wait3A_299] : memref<960xi32, #tpu.memory_space<vmem>> -> memref<64xi32, #tpu.memory_space<vmem>>
        %dma_wait3A_301 = arith.constant 0 : i32
        %dma_wait3A_302 = arith.constant 0 : i32
        %dma_wait3A_303 = tpu.memref_slice %arg2[%dma_wait3A_301, %dma_wait3A_302] : memref<400000x64xf32, #tpu.memory_space<hbm>> -> memref<400000x64xf32, #tpu.memory_space<hbm>>
        tpu.wait_indirect_dma semaphore(%arg9 : memref<!tpu.dma_semaphore, #tpu.memory_space<semaphore_mem>>) src(%dma_wait3A_303 : memref<400000x64xf32, #tpu.memory_space<hbm>>) dst(%dma_wait3A_298 : memref<64x64xf32, #tpu.memory_space<vmem>>)
        %dma_start3A_304 = arith.constant 0 : i32
        %dma_start3A_305 = tpu.memref_slice %arg4[%mul3A_56, %dma_start3A_304] : memref<600000x128xf32, #tpu.memory_space<hbm>> -> memref<960x64xf32, #tpu.memory_space<hbm>>
        %dma_start3A_306 = arith.constant 0 : i32
        %dma_start3A_307 = tpu.memref_slice %arg4[%mul3A_56, %dma_start3A_306] : memref<600000x128xf32, #tpu.memory_space<hbm>> -> memref<960x64xf32, #tpu.memory_space<hbm>>
        tpu.enqueue_dma source(%arg8 : memref<960x64xf32, #tpu.memory_space<vmem>>) target(%dma_start3A_307 : memref<960x64xf32, #tpu.memory_space<hbm>>) target_semaphore(%arg11 : memref<!tpu.dma_semaphore, #tpu.memory_space<semaphore_mem>>)
      } else {
      }
    }
    %scan3A_27 = arith.constant 10 : i32
    %dma_wait3A = arith.constant 0 : i32
    %dma_wait3A_28 = arith.constant 0 : i32
    %dma_wait3A_29 = tpu.memref_slice %arg4[%dma_wait3A, %dma_wait3A_28] : memref<600000x128xf32, #tpu.memory_space<hbm>> -> memref<960x64xf32, #tpu.memory_space<hbm>>
    %dma_wait3A_30 = arith.constant 0 : i32
    %dma_wait3A_31 = arith.constant 0 : i32
    %dma_wait3A_32 = tpu.memref_slice %arg4[%dma_wait3A_30, %dma_wait3A_31] : memref<600000x128xf32, #tpu.memory_space<hbm>> -> memref<960x64xf32, #tpu.memory_space<hbm>>
    tpu.wait_dma2 semaphore(%arg10 : memref<!tpu.dma_semaphore, #tpu.memory_space<semaphore_mem>>) src(%arg7 : memref<960x64xf32, #tpu.memory_space<vmem>>) dst(%dma_wait3A_32 : memref<960x64xf32, #tpu.memory_space<hbm>>)
    %dma_wait3A_33 = arith.constant 0 : i32
    %dma_wait3A_34 = arith.constant 0 : i32
    %dma_wait3A_35 = tpu.memref_slice %arg4[%dma_wait3A_33, %dma_wait3A_34] : memref<600000x128xf32, #tpu.memory_space<hbm>> -> memref<960x64xf32, #tpu.memory_space<hbm>>
    %dma_wait3A_36 = arith.constant 0 : i32
    %dma_wait3A_37 = arith.constant 0 : i32
    %dma_wait3A_38 = tpu.memref_slice %arg4[%dma_wait3A_36, %dma_wait3A_37] : memref<600000x128xf32, #tpu.memory_space<hbm>> -> memref<960x64xf32, #tpu.memory_space<hbm>>
    tpu.wait_dma2 semaphore(%arg11 : memref<!tpu.dma_semaphore, #tpu.memory_space<semaphore_mem>>) src(%arg8 : memref<960x64xf32, #tpu.memory_space<vmem>>) dst(%dma_wait3A_38 : memref<960x64xf32, #tpu.memory_space<hbm>>)
    return
  }
}

</mosaic_0001>

<sc_bundles>
// kernel: kernel.3.cloned.1.call-start
scs
__scs_entry_jumppad:
0x0: {  	(pc) =	sbr.rel $0x88, $3  }
0x1: {  	(tag) =	ssettag $0x0;
	lr =	simm.s32 $0x1  }
0x2: {  	[smem:$0x3F9F] =	sst lr;
	_ =	strace $0xD0000000  }
0x3: {  	_ = 	snop  }
0x4: {  	_ = 	snop  }
0x5: {  	_ = 	snop  }
0x6: {  	_ = 	snop  }
0x7: {  	_ = 	snop  }
__scs_overlays_trampoline_lowered:
0x8: {  	[smem:$0x3FAE] =	sst s0  }
0x9: {  	[smem:$0x3FAF] =	sst s1  }
0xa: {  	[smem:$0x3FB0] =	sst s2  }
0xb: {  	[smem:$0x3FB1] =	sst s3  }
0xc: {  	[smem:$0x3FB2] =	sst s4  }
0xd: {  	[smem:$0x3FB3] =	sst s5  }
0xe: {  	[smem:$0x3FB4] =	sst s6  }
0xf: {  	[smem:$0x3FB5] =	sst s7  }
0x10: {  	[smem:$0x3FB6] =	sst s8  }
0x11: {  	[smem:$0x3FB7] =	sst s9;
	s0 =	simm.s32 @!p0 $0x0  }
0x12: {  	s1 =	sld [smem:$0x3F9D];
	s0 =	simm.s32 @p0 $0x1  }
0x13: {  	[smem:$0x3FB8] =	sst s0;
	s0 =	simm.s32 @!p1 $0x0  }
0x14: {  	s2 =	sld [smem:$0x3F9C];
	s0 =	simm.s32 @p1 $0x1  }
0x15: {  	[smem:$0x3FB9] =	sst s0;
	s0 =	simm.s32 @!p2 $0x0  }
0x16: {  	s3 =	sld [smem:$0x3FDB];
	s0 =	simm.s32 @p2 $0x1  }
0x17: {  	s4 =	simm.s32 $0x1BF5;
	[smem:$0x3FBB] =	sst s0  }
0x18: {  	s0 =	sld [smem:$0x3F9E];
	_ =	swait.ge [sflag:s4], $0x0  }
0x19: {  	s7 =	sld [smem:$0x3F9F]  }
0x1a: {  	s8 =	sadd.s32 $0xFFFFE003, lr  }
0x1b: {  	s9 =	sadd.s32 $0xFFFFFEF7, lr;
	s5 =	simm.s32 $0xFFFFFFFF;
	p2 =	slt.u32 s8, $0xFFFFF086  }
0x1c: {  	p1 =	slt.u32 s9, $0xF7A;
	s5 =	simm.s32 @!p2 $0x0  }
0x1d: {  	s5 =	simm.s32 @p1 $0x1;
	p0 =	seq.s32 s7, s2  }
0x1e: {  	s7 =	smul.u32 @!p0 $0xF7A, s2;
	p2 =	seq.s32 @!p0 s5, $0x0  }
0x1f: {  	s9 =	smul.u32 $0xF7A, s1;
	s8 =	simm.s32 @!p0 $0x1BF5;
	p2 =	por !p2, p0  }
0x20: {  	[sflag:s8] =	ssyncset.s32 @!p0 $0xFFFFF086;
	s6 =	sadd.s32 @!p0 s3, s7;
	s7 =	simm.s32 @!p0 $0x108  }
0x21: {  	s3 =	sadd.s32 s3, s9;
	s6 =	sadd.s32 @!p0 $0x88, s6;
	s7 =	simm.s32 @p2 $0x1082  }
0x22: {  	[simem:s7], [sflag:s8] =	dma.local @!p0 [hbm:s6], $0xF7A  }
0x23: {  	s9 =	sor.u32 $0xD0000000, s2;
	s6 =	simm.s32 $0x108;
	_ =	swait.ge @!p0 [sflag:s8], $0x0  }
0x24: {  	s3 =	sadd.s32 $0x88, s3;
	s6 =	simm.s32 @!p1 $0x1082;
	[sflag:s4] =	ssyncset.s32 $0xFFFFF086  }
0x25: {  	[simem:s6], [sflag:s4] =	dma.local [hbm:s3], $0xF7A  }
0x26: {  	[smem:$0x3F9F] =	sst s1;
	(tag) =	ssettag s2;
	_ =	strace s9  }
0x27: {  	s1 =	sld [smem:$0x3FAF]  }
0x28: {  	s2 =	sld [smem:$0x3FB0]  }
0x29: {  	s4 =	sld [smem:$0x3FB2]  }
0x2a: {  	p0 =	seq.s32 s5, $0x0;
	s5 =	sld [smem:$0x3FB3]  }
0x2b: {  	s6 =	sld [smem:$0x3FB4]  }
0x2c: {  	s7 =	sld [smem:$0x3FB5]  }
0x2d: {  	s3 =	simm.s32 $0x108;
	s8 =	sld [smem:$0x3FB6]  }
0x2e: {  	s3 =	simm.s32 @!p0 $0x1082;
	s9 =	sld [smem:$0x3FB7]  }
0x2f: {  	lr =	sadd.s32 s0, s3;
	s0 =	sld [smem:$0x3FAE]  }
0x30: {  	s3 =	sld [smem:$0x3FB1]  }
0x31: {  	[smem:$0x3FBA] =	sst s10  }
0x32: {  	s10 =	sld [smem:$0x3FB8];
	_ =	sdelay $0x3  }
0x33: {  	p0 =	seq.s32 s10, $0x1;
	s10 =	sld [smem:$0x3FBA];
	_ =	sdelay $0x3  }
0x34: {  	[smem:$0x3FBA] =	sst s10  }
0x35: {  	s10 =	sld [smem:$0x3FB9];
	_ =	sdelay $0x3  }
0x36: {  	p1 =	seq.s32 s10, $0x1;
	s10 =	sld [smem:$0x3FBA];
	_ =	sdelay $0x3  }
0x37: {  	[smem:$0x3FBA] =	sst s10  }
0x38: {  	s10 =	sld [smem:$0x3FBB]  }
0x39: {  	_ = 	snop;
	(pc) =	sbr.ind lr, $3  }
0x3a: {  	_ = 	snop  }
0x3b: {  	_ = 	snop  }
0x3c: {  	p2 =	seq.s32 s10, $0x1;
	s10 =	sld [smem:$0x3FBA]  }
0x3d: {  	_ =	shalt  }
0x3e: {  	_ =	shalt  }
0x3f: {  	_ =	shalt  }
0x40: {  	_ =	shalt  }
0x41: {  	_ =	shalt  }
0x42: {  	_ =	shalt  }
0x43: {  	_ =	shalt  }
0x44: {  	_ =	shalt  }
0x45: {  	_ =	shalt  }
0x46: {  	_ =	shalt  }
0x47: {  	_ =	shalt  }
0x48: {  	_ =	shalt  }
0x49: {  	_ =	shalt  }
0x4a: {  	_ =	shalt  }
0x4b: {  	_ =	shalt  }
0x4c: {  	_ =	shalt  }
0x4d: {  	_ =	shalt  }
0x4e: {  	_ =	shalt  }
0x4f: {  	_ =	shalt  }
0x50: {  	_ =	shalt  }
0x51: {  	_ =	shalt  }
0x52: {  	_ =	shalt  }
0x53: {  	_ =	shalt  }
0x54: {  	_ =	shalt  }
0x55: {  	_ =	shalt  }
0x56: {  	_ =	shalt  }
0x57: {  	_ =	shalt  }
0x58: {  	_ =	shalt  }
0x59: {  	_ =	shalt  }
0x5a: {  	_ =	shalt  }
0x5b: {  	_ =	shalt  }
0x5c: {  	_ =	shalt  }
0x5d: {  	_ =	shalt  }
0x5e: {  	_ =	shalt  }
0x5f: {  	_ =	shalt  }
0x60: {  	_ =	shalt  }
0x61: {  	_ =	shalt  }
0x62: {  	_ =	shalt  }
0x63: {  	_ =	shalt  }
0x64: {  	_ =	shalt  }
0x65: {  	_ =	shalt  }
0x66: {  	_ =	shalt  }
0x67: {  	_ =	shalt  }
0x68: {  	_ =	shalt  }
0x69: {  	_ =	shalt  }
0x6a: {  	_ =	shalt  }
0x6b: {  	_ =	shalt  }
0x6c: {  	_ =	shalt  }
0x6d: {  	_ =	shalt  }
0x6e: {  	_ =	shalt  }
0x6f: {  	_ =	shalt  }
0x70: {  	_ =	shalt  }
0x71: {  	_ =	shalt  }
0x72: {  	_ =	shalt  }
0x73: {  	_ =	shalt  }
0x74: {  	_ =	shalt  }
0x75: {  	_ =	shalt  }
0x76: {  	_ =	shalt  }
0x77: {  	_ =	shalt  }
0x78: {  	_ =	shalt  }
0x79: {  	_ =	shalt  }
0x7a: {  	_ =	shalt  }
0x7b: {  	_ =	shalt  }
0x7c: {  	_ =	shalt  }
0x7d: {  	_ =	shalt  }
0x7e: {  	_ =	shalt  }
0x7f: {  	_ =	shalt  }
0x80: {  	_ =	shalt  }
0x81: {  	_ =	shalt  }
0x82: {  	_ =	shalt  }
0x83: {  	_ =	shalt  }
0x84: {  	_ =	shalt  }
0x85: {  	_ =	shalt  }
0x86: {  	_ =	shalt  }
0x87: {  	_ =	shalt  }
.Lfunc_end0:
.L_simem_size_0:
called_computation.1_lowered:
.L_overlay_start_0:
0x88: {  	s2 =	sld [smem:$0x3FD9]  }
0x89: {  	s3 =	sld [smem:$0x3FFE];
	_ =	sdelay $0x1  }
0x8a: {  	s1 =	srdreg.scid  }
0x8b: {  	s0 =	sand.u32 $0x1, s1  }
0x8c: {  	s17 =	sshll.u32 s0, $0xA;
	s2 =	sadd.s32 s3, s2  }
0x8d: {  	s2 =	sadd.s32 s2, s17  }
0x8e: {  	[smem:$0x3FC6] =	sst s2  }
0x8f: {  	_ = 	snop  }
0x90: {  	s2 =	sld [smem:$0x3FD0];
	(tm) =	ssettm $0x1  }
0x91: {  	s18 =	sld [smem:$0x3FFB];
	_ =	sdelay $0x3  }
0x92: {  	_ =	strace s18  }
0x93: {  	s3 =	sld [smem:$0x3FFC];
	_ =	sdelay $0x3  }
0x94: {  	_ =	strace s3  }
0x95: {  	s3 =	sld [smem:$0x3FFD];
	_ =	sdelay $0x3  }
0x96: {  	_ =	strace s3  }
0x97: {  	_ =	strace $0x8FFFFFFF  }
0x98: {  	s19 =	sld [smem:$0x3FDB];
	_ =	sdelay $0x1  }
0x99: {  	s4 =	simm.s32 $_scs_section_size  }
0x9a: {  	s5 =	simm.s32 $_size__tile_overlayer_lowered;
	s6 =	simm.s32 $_tile_overlayer_lowered  }
0x9b: {  	s22 =	simm.s32 $0x1BFF;
	s21 =	sshll.u32 s6, $0x1;
	s3 =	sadd.s32 s4, s19  }
0x9c: {  	s7 =	simm.s32 $0x0;
	s20 =	sshll.u32 s5, $0x1;
	s5 =	sadd.s32 s21, s3  }
0x9d: {  	[timem:s7], [sflag:s22] =	dma.local [hbm:s5], s20  }
0x9e: {  	_ =	swait.ge [sflag:s22], s20  }
0x9f: {  	s4 =	ssub.s32 $0x0, s20;
	[sflag:s22] =	ssyncset.done $0x0  }
0xa0: {  	[sflag:s22] =	ssyncadd.s32 s4;
	_ =	sdelay $0x1  }
0xa1: {  	s23 =	simm.s32 $0x1B8B  }
0xa2: {  	_ =	swait.ge [sflag:s23], $0x1  }
0xa3: {  	[sflag:s23] =	ssyncset.done $0x0  }
0xa4: {  	s25 =	simm.s32 $0x1B8E;
	s24 =	sld [smem:$0x3FFE];
	[sflag:s23] =	ssyncadd.s32 $0xFFFFFFFF  }
0xa5: {  	s26 =	simm.s32 $execute0_lowered;
	[smem:$0x3FD2] =	sst s25  }
0xa6: {  	s5 =	sshll.u32 s26, $0x1;
	_ =	strace $0x80000046;
	[dreg:$0x1] =	wrdreg $0xFFFFFFFF  }
0xa7: {  	s28 =	simm.s32 $_size_execute0_lowered;
	s3 =	sadd.s32 s3, s5;
	[dreg:$0x0] =	wrdreg $0x0  }
0xa8: {  	s5 =	sshll.u32 s28, $0x1;
	[dreg:$0x2] =	wrdreg s3  }
0xa9: {  	[dreg:$0x3] =	wrdreg s5  }
0xaa: {  	[dreg:$0x4] =	wrdreg $0xC0  }
0xab: {  	_ =	task [dreg:s7], $0x5FFFF  }
0xac: {  	[dreg:$0x1] =	wrdreg $0xFFFFFFFF  }
0xad: {  	[dreg:$0x0] =	wrdreg $0x60  }
0xae: {  	[dreg:$0x2] =	wrdreg s2  }
0xaf: {  	[dreg:$0x3] =	wrdreg s24  }
0xb0: {  	[dreg:$0x4] =	wrdreg $0x9  }
0xb1: {  	_ =	task.clear_ibuf [dreg:s7], $0x5FFFF;
	_ =	strace $0x90000046  }
0xb2: {  	s29 =	simm.s32 $0x9;
	_ =	strace $0x80000048  }
0xb3: {  	_ =	swait.ge [sflag:s29], $0x1  }
0xb4: {  	[sflag:s29] =	ssyncadd.s32 $0xFFFFFFFF  }
0xb5: {  	_ =	strace $0x90000048  }
0xb6: {  	_ =	sfence  }
0xb7: {  	s30 =	sld [smem:$0x0];
	_ =	sdelay $0x2  }
0xb8: {  	s31 =	sshll.u32 s1, $0xD;
	s1 =	sshrl.u32 s1, $0x2  }
0xb9: {  	s3 =	sand.u32 $0x4000, s31;
	s1 =	sadd.s32 s1, s30  }
0xba: {  	s0 =	sor.u32 s3, s0;
	s1 =	sshll.u32 s1, $0x11  }
0xbb: {  	s0 =	sor.u32 s1, s0  }
0xbc: {  	s0 =	sadd.s32 $0x8F2B, s0  }
0xbd: {  	[sflag:s0] =	ssyncadd.remote.s32 $0x1  }
0xbe: {  	_ =	sfence.sel $0xFFFF  }
0xbf: {  	[dreg:$0x0] =	wrdreg $0xFFFFFFFF;
	(pc) =	sbr.abs _section_cstart, $3  }
0xc0: {  	[dreg:$0x1] =	wrdreg $0xFFFFFFFF  }
0xc1: {  	_ =	task.clear_ibuf [dreg:s7], $0x2FFFF;
	_ =	strace $0x9FFFFFFF  }
0xc2: {  	(tm) =	ssettm $0x7FFFFFFF  }
0xc3: {  	_ =	shalt  }
tec
execute0_lowered:
.L_overlay_start_1:
0x0: {  	(tag) =	ssettag $0x1  }
0x1: {  	s2 =	rddreg [dreg:$0x0]  }
0x2: {  	s0 =	rddreg [dreg:$0x1];
	s6 =	stileid.u32;
	s3 =	simm.s32 $0x0  }
0x3: {  	s4 =	srdreg.scid;
	s22 =	simm.s32 $0x1780;
	s12 =	simm.s32 $0x80  }
0x4: {  	s24 =	simm.s32 $0x200;
	s28 =	simm.s32 $0x9780;
	s29 =	simm.s32 $0x280  }
0x5: {  	s30 =	simm.s32 $0xA780;
	s31 =	simm.s32 $0x2C0;
	s11 =	simm.s32 $0xD780  }
0x6: {  	s13 =	simm.s32 $0x380;
	s14 =	simm.s32 $0xE780;
	s15 =	simm.s32 $0x1  }
0x7: {  	s16 =	simm.s32 $0x3C0;
	s17 =	simm.s32 $0xF780;
	s1 =	smul.u32 $0xF0, s6  }
0x8: {  	s20 =	simm.s32 $0x0;
	[smem:$0x7FF] =	sst s3;
	s5 =	smul.u32 $0x7800, s6  }
0x9: {  	s4 =	sand.u32 $0x1, s4;
	s6 =	sshll.u32 s6, $0x1;
	_ =	strace $0x80000047  }
0xa: {  	s7 =	ssub.s32 $0x2, s4;
	s6 =	sor.u32 s4, s6;
	s8 =	smul.u32 $0x3C00, s4  }
0xb: {  	s10 =	smul.u32 $0x78, s4;
	s1 =	sadd.s32 s1, s0;
	s9 =	sshrl.u32 s7, $0x1  }
0xc: {  	s6 =	ssub.s32 $0x290, s6;
	s0 =	sadd.s32 s5, s0;
	s25 =	ssub.s32 s7, s9  }
0xd: {  	s4 =	sshrl.u32 s6, $0x5;
	s0 =	sadd.s32 s8, s0;
	s1 =	sadd.s32 s10, s1  }
.Ltmp0:
0xe: {  	s8 =	simm.s32 $0x4;
	s9 =	simm.s32 $0x40;
	(pc) =	sbr.rel .LBB2_1-.Ltmp0, $4  }
0xf: {  	s10 =	simm.s32 $0x780;
	s7 =	simm.s32 $0x340;
	s5 =	smax.u32 s25, $0x1  }
0x10: {  	s6 =	sadd.s32 $0x12E00, s0;
	s26 =	sadd.s32 $0x800, s1;
	s25 =	simm.s32 $0x8780  }
0x11: {  	s0 =	simm.s32 $0xB780;
	s1 =	simm.s32 $0x300;
	[dreg:$0x3] =	wrdreg s5  }
0x12: {  	[dreg:$0x4] =	wrdreg s26;
	s26 =	simm.s32 $0x240;
	s5 =	simm.s32 $0xC780  }
.LBB2_5:
0x13: {  	s18 =	simm.s32 $0x2  }
0x14: {  	_ =	swait.ge [sflag:s18], $0xF000  }
0x15: {  	[sflag:s18] =	ssyncset.done $0x0  }
0x16: {  	s19 =	simm.s32 $0x3;
	[sflag:s18] =	ssyncadd.s32 $0xFFFF1000  }
0x17: {  	_ =	swait.ge [sflag:s19], $0xF000  }
0x18: {  	s20 =	rddreg [dreg:$0x5]  }
0x19: {  	s23 =	rddreg [dreg:$0x3];
	s20 =	sadd.s32 $0x1, s20  }
0x1a: {  	p0 =	sne.s32 s20, s23  }
.Ltmp1:
0x1b: {  	_ = 	snop;
	(pc) =	sbr.rel @!p0 .LBB2_6-.Ltmp1, $3  }
0x1c: {  	_ =	sdelay $0x1  }
0x1d: {  	[sflag:s19] =	ssyncset.done $0x0  }
0x1e: {  	[sflag:s19] =	ssyncadd.s32 $0xFFFF1000  }
.LBB2_1:
.Ltmp2:
0x1f: {  	(pc) =	sbr.rel .LBB2_2-.Ltmp2, $3  }
0x20: {  	_ =	sdelay $0x1  }
0x21: {  	[dreg:$0x5] =	wrdreg s20  }
0x22: {  	s18 =	simm.s32 $0x1;
	s19 =	rddreg [dreg:$0x4];
	s20 =	simm.s32 $0x0  }
.LBB2_4:
0x23: {  	s20 =	sadd.s32 $0xF0000, s20  }
0x24: {  	p0 =	sne.s32 s20, $0x960000  }
.Ltmp3:
0x25: {  	_ = 	snop;
	(pc) =	sbr.rel @!p0 .LBB2_5-.Ltmp3, $2  }
0x26: {  	_ =	sdelay $0x2  }
0x27: {  	s19 =	sadd.s32 $0x1E00, s19;
	s18 =	sadd.s32 $0x2, s18  }
.LBB2_2:
0x28: {  	p0 =	seq.s32 s20, $0x0  }
0x29: {  	s21 =	simm.s32 @!p0 $0x2  }
0x2a: {  	_ =	swait.ge @!p0 [sflag:s21], $0xF000  }
0x2b: {  	[sflag:s21] =	ssyncset.done @!p0 $0x0  }
0x2c: {  	[sflag:s21] =	ssyncadd.s32 @!p0 $0xFFFF1000  }
0x2d: {  	[tilespmem:s3], [sflag:$0x4] =	stream.linear.gather [hbm4b:s19+s3], $0x3C0, $0x38;
	[tilespmem:$0x1E780] =	vst v63  }
0x2e: {  	_ =	swait.ge [sflag:s8], $0x3C0  }
0x2f: {  	[sflag:s8] =	ssyncset.done $0x0  }
0x30: {  	[sflag:s8] =	ssyncadd.s32 $0xFFFFFC40  }
0x31: {  	[tilespmem:s10], [sflag:$0x1] =	stream.indirect.gather [hbm4b:s2+s9], $0x40, s3, s9, $0xb8;
	[tilespmem:$0x1E780] =	vst v63  }
0x32: {  	_ = 	snop  }
0x33: {  	[tilespmem:s22], [sflag:$0x1] =	stream.indirect.gather [hbm4b:s2+s9], $0x40, s9, s9, $0xb8;
	[tilespmem:$0x1E780] =	vst v63  }
0x34: {  	s23 =	simm.s32 $0x2780  }
0x35: {  	[tilespmem:s23], [sflag:$0x1] =	stream.indirect.gather [hbm4b:s2+s9], $0x40, s12, s9, $0xb8;
	[tilespmem:$0x1E780] =	vst v63  }
0x36: {  	s21 =	simm.s32 $0xC0;
	s23 =	simm.s32 $0x3780  }
0x37: {  	[tilespmem:s23], [sflag:$0x1] =	stream.indirect.gather [hbm4b:s2+s9], $0x40, s21, s9, $0xb8;
	[tilespmem:$0x1E780] =	vst v63  }
0x38: {  	s21 =	simm.s32 $0x100;
	s23 =	simm.s32 $0x4780  }
0x39: {  	[tilespmem:s23], [sflag:$0x1] =	stream.indirect.gather [hbm4b:s2+s9], $0x40, s21, s9, $0xb8;
	[tilespmem:$0x1E780] =	vst v63  }
0x3a: {  	s21 =	simm.s32 $0x140;
	s23 =	simm.s32 $0x5780  }
0x3b: {  	[tilespmem:s23], [sflag:$0x1] =	stream.indirect.gather [hbm4b:s2+s9], $0x40, s21, s9, $0xb8;
	[tilespmem:$0x1E780] =	vst v63  }
0x3c: {  	s21 =	simm.s32 $0x180;
	s23 =	simm.s32 $0x6780  }
0x3d: {  	[tilespmem:s23], [sflag:$0x1] =	stream.indirect.gather [hbm4b:s2+s9], $0x40, s21, s9, $0xb8;
	[tilespmem:$0x1E780] =	vst v63  }
0x3e: {  	s21 =	simm.s32 $0x1C0;
	s23 =	simm.s32 $0x7780  }
0x3f: {  	[tilespmem:s23], [sflag:$0x1] =	stream.indirect.gather [hbm4b:s2+s9], $0x40, s21, s9, $0xb8;
	[tilespmem:$0x1E780] =	vst v63  }
0x40: {  	_ = 	snop  }
0x41: {  	[tilespmem:s25], [sflag:$0x1] =	stream.indirect.gather [hbm4b:s2+s9], $0x40, s24, s9, $0xb8;
	[tilespmem:$0x1E780] =	vst v63  }
0x42: {  	_ = 	snop  }
0x43: {  	[tilespmem:s28], [sflag:$0x1] =	stream.indirect.gather [hbm4b:s2+s9], $0x40, s26, s9, $0xb8;
	[tilespmem:$0x1E780] =	vst v63  }
0x44: {  	_ = 	snop  }
0x45: {  	[tilespmem:s30], [sflag:$0x1] =	stream.indirect.gather [hbm4b:s2+s9], $0x40, s29, s9, $0xb8;
	[tilespmem:$0x1E780] =	vst v63  }
0x46: {  	_ = 	snop  }
0x47: {  	[tilespmem:s0], [sflag:$0x1] =	stream.indirect.gather [hbm4b:s2+s9], $0x40, s31, s9, $0xb8;
	[tilespmem:$0x1E780] =	vst v63  }
0x48: {  	_ = 	snop  }
0x49: {  	[tilespmem:s5], [sflag:$0x1] =	stream.indirect.gather [hbm4b:s2+s9], $0x40, s1, s9, $0xb8;
	[tilespmem:$0x1E780] =	vst v63  }
0x4a: {  	_ = 	snop  }
0x4b: {  	[tilespmem:s11], [sflag:$0x1] =	stream.indirect.gather [hbm4b:s2+s9], $0x40, s7, s9, $0xb8;
	[tilespmem:$0x1E780] =	vst v63  }
0x4c: {  	_ = 	snop  }
0x4d: {  	[tilespmem:s14], [sflag:$0x1] =	stream.indirect.gather [hbm4b:s2+s9], $0x40, s13, s9, $0xb8;
	[tilespmem:$0x1E780] =	vst v63  }
0x4e: {  	_ =	swait.ge [sflag:s15], $0x1000  }
0x4f: {  	[sflag:s15] =	ssyncset.done $0x0  }
0x50: {  	[sflag:s15] =	ssyncadd.s32 $0xFFFFF000  }
0x51: {  	_ =	swait.ge [sflag:s15], $0x1000  }
0x52: {  	[sflag:s15] =	ssyncset.done $0x0  }
0x53: {  	[sflag:s15] =	ssyncadd.s32 $0xFFFFF000  }
0x54: {  	_ =	swait.ge [sflag:s15], $0x1000  }
0x55: {  	[sflag:s15] =	ssyncset.done $0x0  }
0x56: {  	[sflag:s15] =	ssyncadd.s32 $0xFFFFF000  }
0x57: {  	_ =	swait.ge [sflag:s15], $0x1000  }
0x58: {  	[sflag:s15] =	ssyncset.done $0x0  }
0x59: {  	[sflag:s15] =	ssyncadd.s32 $0xFFFFF000  }
0x5a: {  	_ =	swait.ge [sflag:s15], $0x1000  }
0x5b: {  	[sflag:s15] =	ssyncset.done $0x0  }
0x5c: {  	[sflag:s15] =	ssyncadd.s32 $0xFFFFF000  }
0x5d: {  	_ =	swait.ge [sflag:s15], $0x1000  }
0x5e: {  	[sflag:s15] =	ssyncset.done $0x0  }
0x5f: {  	[sflag:s15] =	ssyncadd.s32 $0xFFFFF000  }
0x60: {  	_ =	swait.ge [sflag:s15], $0x1000  }
0x61: {  	[sflag:s15] =	ssyncset.done $0x0  }
0x62: {  	[sflag:s15] =	ssyncadd.s32 $0xFFFFF000  }
0x63: {  	_ =	swait.ge [sflag:s15], $0x1000  }
0x64: {  	[sflag:s15] =	ssyncset.done $0x0  }
0x65: {  	[sflag:s15] =	ssyncadd.s32 $0xFFFFF000  }
0x66: {  	_ =	swait.ge [sflag:s15], $0x1000  }
0x67: {  	[sflag:s15] =	ssyncset.done $0x0  }
0x68: {  	[sflag:s15] =	ssyncadd.s32 $0xFFFFF000  }
0x69: {  	_ =	swait.ge [sflag:s15], $0x1000  }
0x6a: {  	[sflag:s15] =	ssyncset.done $0x0  }
0x6b: {  	[sflag:s15] =	ssyncadd.s32 $0xFFFFF000  }
0x6c: {  	_ =	swait.ge [sflag:s15], $0x1000  }
0x6d: {  	[sflag:s15] =	ssyncset.done $0x0  }
0x6e: {  	[sflag:s15] =	ssyncadd.s32 $0xFFFFF000  }
0x6f: {  	_ =	swait.ge [sflag:s15], $0x1000  }
0x70: {  	[sflag:s15] =	ssyncset.done $0x0  }
0x71: {  	[sflag:s15] =	ssyncadd.s32 $0xFFFFF000  }
0x72: {  	_ =	swait.ge [sflag:s15], $0x1000  }
0x73: {  	[sflag:s15] =	ssyncset.done $0x0  }
0x74: {  	[sflag:s15] =	ssyncadd.s32 $0xFFFFF000  }
0x75: {  	_ =	swait.ge [sflag:s15], $0x1000  }
0x76: {  	p1 =	sge.u32 s18, s4;
	[sflag:s15] =	ssyncset.done $0x0  }
.Ltmp4:
0x77: {  	[sflag:s15] =	ssyncadd.s32 $0xFFFFF000;
	(pc) =	sbr.rel @p1 .LBB2_4-.Ltmp4, $4  }
0x78: {  	_ =	swait.ge [sflag:s15], $0x1000  }
0x79: {  	[sflag:s15] =	ssyncset.done $0x0  }
0x7a: {  	s21 =	sadd.s32 s20, s6;
	[sflag:s15] =	ssyncadd.s32 $0xFFFFF000  }
0x7b: {  	[hbm4b:s21+s9] =	stream.strided.scatter [tilespmem:s10], [sflag:$0x2], $0xF000, s12, s9, $0x38;
	[tilespmem:$0x1E780] =	vst v63  }
0x7c: {  	s22 =	simm.s32 @!p0 $0x3  }
0x7d: {  	_ =	swait.ge @!p0 [sflag:s22], $0xF000  }
0x7e: {  	[sflag:s22] =	ssyncset.done @!p0 $0x0  }
0x7f: {  	s1 =	sadd.s32 $0xF00, s19;
	[sflag:s22] =	ssyncadd.s32 @!p0 $0xFFFF1000  }
0x80: {  	[tilespmem:s16], [sflag:$0x4] =	stream.linear.gather [hbm4b:s1+s3], $0x3C0, $0x38;
	[tilespmem:$0x1E780] =	vst v63  }
0x81: {  	_ =	swait.ge [sflag:s8], $0x3C0  }
0x82: {  	[sflag:s8] =	ssyncset.done $0x0  }
0x83: {  	[sflag:s8] =	ssyncadd.s32 $0xFFFFFC40  }
0x84: {  	[tilespmem:s17], [sflag:$0x1] =	stream.indirect.gather [hbm4b:s2+s9], $0x40, s16, s9, $0xb8;
	[tilespmem:$0x1E780] =	vst v63  }
0x85: {  	s23 =	simm.s32 $0x400;
	s24 =	simm.s32 $0x10780  }
0x86: {  	[tilespmem:s24], [sflag:$0x1] =	stream.indirect.gather [hbm4b:s2+s9], $0x40, s23, s9, $0xb8;
	[tilespmem:$0x1E780] =	vst v63  }
0x87: {  	s5 =	simm.s32 $0x440;
	s25 =	simm.s32 $0x11780  }
0x88: {  	[tilespmem:s25], [sflag:$0x1] =	stream.indirect.gather [hbm4b:s2+s9], $0x40, s5, s9, $0xb8;
	[tilespmem:$0x1E780] =	vst v63  }
0x89: {  	s7 =	simm.s32 $0x480;
	s26 =	simm.s32 $0x12780  }
0x8a: {  	[tilespmem:s26], [sflag:$0x1] =	stream.indirect.gather [hbm4b:s2+s9], $0x40, s7, s9, $0xb8;
	[tilespmem:$0x1E780] =	vst v63  }
0x8b: {  	s11 =	simm.s32 $0x4C0;
	s28 =	simm.s32 $0x13780  }
0x8c: {  	[tilespmem:s28], [sflag:$0x1] =	stream.indirect.gather [hbm4b:s2+s9], $0x40, s11, s9, $0xb8;
	[tilespmem:$0x1E780] =	vst v63  }
0x8d: {  	s13 =	simm.s32 $0x500;
	s29 =	simm.s32 $0x14780  }
0x8e: {  	[tilespmem:s29], [sflag:$0x1] =	stream.indirect.gather [hbm4b:s2+s9], $0x40, s13, s9, $0xb8;
	[tilespmem:$0x1E780] =	vst v63  }
0x8f: {  	s14 =	simm.s32 $0x540;
	s30 =	simm.s32 $0x15780  }
0x90: {  	[tilespmem:s30], [sflag:$0x1] =	stream.indirect.gather [hbm4b:s2+s9], $0x40, s14, s9, $0xb8;
	[tilespmem:$0x1E780] =	vst v63  }
0x91: {  	s0 =	simm.s32 $0x580;
	s31 =	simm.s32 $0x16780  }
0x92: {  	[tilespmem:s31], [sflag:$0x1] =	stream.indirect.gather [hbm4b:s2+s9], $0x40, s0, s9, $0xb8;
	[tilespmem:$0x1E780] =	vst v63  }
0x93: {  	s1 =	simm.s32 $0x5C0;
	s0 =	simm.s32 $0x17780  }
0x94: {  	[tilespmem:s0], [sflag:$0x1] =	stream.indirect.gather [hbm4b:s2+s9], $0x40, s1, s9, $0xb8;
	[tilespmem:$0x1E780] =	vst v63  }
0x95: {  	s5 =	simm.s32 $0x600;
	s1 =	simm.s32 $0x18780  }
0x96: {  	[tilespmem:s1], [sflag:$0x1] =	stream.indirect.gather [hbm4b:s2+s9], $0x40, s5, s9, $0xb8;
	[tilespmem:$0x1E780] =	vst v63  }
0x97: {  	s7 =	simm.s32 $0x640;
	s5 =	simm.s32 $0x19780  }
0x98: {  	[tilespmem:s5], [sflag:$0x1] =	stream.indirect.gather [hbm4b:s2+s9], $0x40, s7, s9, $0xb8;
	[tilespmem:$0x1E780] =	vst v63  }
0x99: {  	s11 =	simm.s32 $0x680;
	s7 =	simm.s32 $0x1A780  }
0x9a: {  	[tilespmem:s7], [sflag:$0x1] =	stream.indirect.gather [hbm4b:s2+s9], $0x40, s11, s9, $0xb8;
	[tilespmem:$0x1E780] =	vst v63  }
0x9b: {  	s13 =	simm.s32 $0x6C0;
	s11 =	simm.s32 $0x1B780  }
0x9c: {  	[tilespmem:s11], [sflag:$0x1] =	stream.indirect.gather [hbm4b:s2+s9], $0x40, s13, s9, $0xb8;
	[tilespmem:$0x1E780] =	vst v63  }
0x9d: {  	s14 =	simm.s32 $0x700;
	s13 =	simm.s32 $0x1C780  }
0x9e: {  	[tilespmem:s13], [sflag:$0x1] =	stream.indirect.gather [hbm4b:s2+s9], $0x40, s14, s9, $0xb8;
	[tilespmem:$0x1E780] =	vst v63  }
0x9f: {  	s23 =	simm.s32 $0x740;
	s14 =	simm.s32 $0x1D780  }
0xa0: {  	[tilespmem:s14], [sflag:$0x1] =	stream.indirect.gather [hbm4b:s2+s9], $0x40, s23, s9, $0xb8;
	[tilespmem:$0x1E780] =	vst v63  }
0xa1: {  	_ =	swait.ge [sflag:s15], $0x1000  }
0xa2: {  	[sflag:s15] =	ssyncset.done $0x0  }
0xa3: {  	[sflag:s15] =	ssyncadd.s32 $0xFFFFF000  }
0xa4: {  	_ =	swait.ge [sflag:s15], $0x1000  }
0xa5: {  	[sflag:s15] =	ssyncset.done $0x0  }
0xa6: {  	[sflag:s15] =	ssyncadd.s32 $0xFFFFF000  }
0xa7: {  	_ =	swait.ge [sflag:s15], $0x1000  }
0xa8: {  	[sflag:s15] =	ssyncset.done $0x0  }
0xa9: {  	[sflag:s15] =	ssyncadd.s32 $0xFFFFF000  }
0xaa: {  	_ =	swait.ge [sflag:s15], $0x1000  }
0xab: {  	[sflag:s15] =	ssyncset.done $0x0  }
0xac: {  	[sflag:s15] =	ssyncadd.s32 $0xFFFFF000  }
0xad: {  	_ =	swait.ge [sflag:s15], $0x1000  }
0xae: {  	[sflag:s15] =	ssyncset.done $0x0  }
0xaf: {  	[sflag:s15] =	ssyncadd.s32 $0xFFFFF000  }
0xb0: {  	_ =	swait.ge [sflag:s15], $0x1000  }
0xb1: {  	[sflag:s15] =	ssyncset.done $0x0  }
0xb2: {  	[sflag:s15] =	ssyncadd.s32 $0xFFFFF000  }
0xb3: {  	_ =	swait.ge [sflag:s15], $0x1000  }
0xb4: {  	[sflag:s15] =	ssyncset.done $0x0  }
0xb5: {  	[sflag:s15] =	ssyncadd.s32 $0xFFFFF000  }
0xb6: {  	_ =	swait.ge [sflag:s15], $0x1000  }
0xb7: {  	[sflag:s15] =	ssyncset.done $0x0  }
0xb8: {  	[sflag:s15] =	ssyncadd.s32 $0xFFFFF000  }
0xb9: {  	_ =	swait.ge [sflag:s15], $0x1000  }
0xba: {  	[sflag:s15] =	ssyncset.done $0x0  }
0xbb: {  	[sflag:s15] =	ssyncadd.s32 $0xFFFFF000  }
0xbc: {  	_ =	swait.ge [sflag:s15], $0x1000  }
0xbd: {  	[sflag:s15] =	ssyncset.done $0x0  }
0xbe: {  	[sflag:s15] =	ssyncadd.s32 $0xFFFFF000  }
0xbf: {  	_ =	swait.ge [sflag:s15], $0x1000  }
0xc0: {  	[sflag:s15] =	ssyncset.done $0x0  }
0xc1: {  	[sflag:s15] =	ssyncadd.s32 $0xFFFFF000  }
0xc2: {  	_ =	swait.ge [sflag:s15], $0x1000  }
0xc3: {  	[sflag:s15] =	ssyncset.done $0x0  }
0xc4: {  	[sflag:s15] =	ssyncadd.s32 $0xFFFFF000  }
0xc5: {  	s21 =	sadd.s32 $0x78000, s21;
	_ =	swait.ge [sflag:s15], $0x1000  }
0xc6: {  	s22 =	simm.s32 $0x1780;
	s24 =	simm.s32 $0x200;
	[sflag:s15] =	ssyncset.done $0x0  }
0xc7: {  	s25 =	simm.s32 $0x8780;
	s26 =	simm.s32 $0x240;
	[sflag:s15] =	ssyncadd.s32 $0xFFFFF000  }
0xc8: {  	s28 =	simm.s32 $0x9780;
	s29 =	simm.s32 $0x280;
	_ =	swait.ge [sflag:s15], $0x1000  }
0xc9: {  	s30 =	simm.s32 $0xA780;
	s31 =	simm.s32 $0x2C0;
	[sflag:s15] =	ssyncset.done $0x0  }
.Ltmp5:
0xca: {  	s0 =	simm.s32 $0xB780;
	[sflag:s15] =	ssyncadd.s32 $0xFFFFF000;
	(pc) =	sbr.rel .LBB2_4-.Ltmp5, $4  }
0xcb: {  	s1 =	simm.s32 $0x300;
	s5 =	simm.s32 $0xC780;
	_ =	swait.ge [sflag:s15], $0x1000  }
0xcc: {  	s7 =	simm.s32 $0x340;
	s11 =	simm.s32 $0xD780;
	[sflag:s15] =	ssyncset.done $0x0  }
0xcd: {  	s13 =	simm.s32 $0x380;
	s14 =	simm.s32 $0xE780;
	[sflag:s15] =	ssyncadd.s32 $0xFFFFF000  }
0xce: {  	[hbm4b:s21+s9] =	stream.strided.scatter [tilespmem:s17], [sflag:$0x3], $0xF000, s12, s9, $0x38;
	[tilespmem:$0x1E780] =	vst v63  }
.LBB2_6:
0xcf: {  	_ =	sfence.sel $0x180000  }
0xd0: {  	[bflag:$0x0] =	sbarrier.arrive $0xFFFF  }
0xd1: {  	_ =	strace $0x90000047  }
0xd2: {  	s0 =	stileid.u32;
	[bflag:$0x2] =	sbarrier.arrive $0xFFFF  }
0xd3: {  	p0 =	sne.s32 s0, $0x0;
	s0 =	rddreg [dreg:$0x2]  }
0xd4: {  	s0 =	sadd.s32 @!p0 $0x100000, s0  }
0xd5: {  	[sflag:s0] =	ssyncadd.tile.s32 @!p0 $0x1;
	_ =	shalt  }
.Lfunc_end2:
_tile_overlayer_lowered:
.L_overlay_start_2:
0xd6: {  	(tag) =	ssettag $0x2  }
0xd7: {  	s0 =	rddreg [dreg:$0x0];
	s2 =	stileid.u32  }
0xd8: {  	s1 =	rddreg [dreg:$0x1];
	p0 =	sne.s32 s2, $0x0  }
0xd9: {  	s3 =	rddreg [dreg:$0x2];
	[bflag:$0x3] =	sbarrier.arrive $0xFFFF;
	s2 =	simm.s32 @!p0 $0x1C04  }
0xda: {  	[timem:s3], [sflag:s2] =	dma.local @!p0 [hbm:s0], s1  }
0xdb: {  	s0 =	simm.s32 @!p0 $0x4  }
0xdc: {  	_ =	swait.ge @!p0 [sflag:s0], s1  }
0xdd: {  	s1 =	ssub.s32 @!p0 $0x0, s1;
	[sflag:s0] =	ssyncset.done @!p0 $0x0  }
0xde: {  	[sflag:s0] =	ssyncadd.s32 @!p0 s1  }
0xdf: {  	[bflag:$0x3] =	sbarrier.arrive $0xFFFF  }
0xe0: {  	_ =	shalt  }

// kernel: sparse-core-data-format-call.cloned.1.call-start
scs
called_computation_lowered:
.L_overlay_start_0:
0x0: {  	s2 =	sld [smem:$0x3FD9]  }
0x1: {  	s3 =	sld [smem:$0x3FFE];
	_ =	sdelay $0x1  }
0x2: {  	s1 =	srdreg.scid  }
0x3: {  	s0 =	sand.u32 $0x1, s1  }
0x4: {  	s18 =	sshll.u32 s0, $0xA;
	s2 =	sadd.s32 s3, s2  }
0x5: {  	s2 =	sadd.s32 s2, s18  }
0x6: {  	[smem:$0x3FC6] =	sst s2  }
0x7: {  	_ = 	snop  }
0x8: {  	s2 =	sld [smem:$0x3FD0];
	(tm) =	ssettm $0x1  }
0x9: {  	s19 =	sld [smem:$0x3FFB];
	_ =	sdelay $0x3  }
0xa: {  	_ =	strace s19  }
0xb: {  	s3 =	sld [smem:$0x3FFC];
	_ =	sdelay $0x3  }
0xc: {  	_ =	strace s3  }
0xd: {  	s3 =	sld [smem:$0x3FFD];
	_ =	sdelay $0x3  }
0xe: {  	_ =	strace s3  }
0xf: {  	_ =	strace $0x8FFFFFFF  }
0x10: {  	s20 =	sld [smem:$0x3FDB];
	_ =	sdelay $0x1  }
0x11: {  	s4 =	simm.s32 $_scs_section_size  }
0x12: {  	s5 =	simm.s32 $_size__tile_overlayer_lowered;
	s6 =	simm.s32 $_tile_overlayer_lowered  }
0x13: {  	s23 =	simm.s32 $0x1BFF;
	s22 =	sshll.u32 s6, $0x1;
	s3 =	sadd.s32 s4, s20  }
0x14: {  	s7 =	simm.s32 $0x0;
	s21 =	sshll.u32 s5, $0x1;
	s5 =	sadd.s32 s22, s3  }
0x15: {  	[timem:s7], [sflag:s23] =	dma.local [hbm:s5], s21  }
0x16: {  	_ =	swait.ge [sflag:s23], s21  }
0x17: {  	s4 =	ssub.s32 $0x0, s21;
	[sflag:s23] =	ssyncset.done $0x0  }
0x18: {  	[sflag:s23] =	ssyncadd.s32 s4;
	_ =	sdelay $0x1  }
0x19: {  	s24 =	simm.s32 $0x1B8B  }
0x1a: {  	_ =	swait.ge [sflag:s24], $0x1  }
0x1b: {  	[sflag:s24] =	ssyncset.done $0x0  }
0x1c: {  	s26 =	simm.s32 $0x1B8E;
	s25 =	sld [smem:$0x3FFE];
	[sflag:s24] =	ssyncadd.s32 $0xFFFFFFFF  }
0x1d: {  	s27 =	simm.s32 $execute0_lowered;
	[smem:$0x3FD2] =	sst s26  }
0x1e: {  	s5 =	sshll.u32 s27, $0x1;
	_ =	strace $0x80000049;
	[dreg:$0x1] =	wrdreg $0xFFFFFFFF  }
0x1f: {  	s28 =	simm.s32 $_size_execute0_lowered;
	s3 =	sadd.s32 s3, s5;
	[dreg:$0x0] =	wrdreg $0x0  }
0x20: {  	s5 =	sshll.u32 s28, $0x1;
	[dreg:$0x2] =	wrdreg s3  }
0x21: {  	[dreg:$0x3] =	wrdreg s5  }
0x22: {  	[dreg:$0x4] =	wrdreg $0xC0  }
0x23: {  	_ =	task [dreg:s7], $0x5FFFF  }
0x24: {  	[dreg:$0x1] =	wrdreg $0xFFFFFFFF  }
0x25: {  	[dreg:$0x0] =	wrdreg $0x60  }
0x26: {  	[dreg:$0x2] =	wrdreg s25  }
0x27: {  	[dreg:$0x3] =	wrdreg s2  }
0x28: {  	[dreg:$0x4] =	wrdreg $0x9  }
0x29: {  	_ =	task.clear_ibuf [dreg:s7], $0x5FFFF;
	_ =	strace $0x90000049  }
0x2a: {  	s29 =	simm.s32 $0x9;
	_ =	strace $0x8000004B  }
0x2b: {  	_ =	swait.ge [sflag:s29], $0x1  }
0x2c: {  	[sflag:s29] =	ssyncadd.s32 $0xFFFFFFFF  }
0x2d: {  	_ =	strace $0x9000004B  }
0x2e: {  	_ =	sfence  }
0x2f: {  	s30 =	sld [smem:$0x0];
	_ =	sdelay $0x2  }
0x30: {  	s31 =	sshll.u32 s1, $0xD;
	s1 =	sshrl.u32 s1, $0x2  }
0x31: {  	s3 =	sand.u32 $0x4000, s31;
	s1 =	sadd.s32 s1, s30  }
0x32: {  	s0 =	sor.u32 s3, s0;
	s1 =	sshll.u32 s1, $0x11  }
0x33: {  	s0 =	sor.u32 s1, s0  }
0x34: {  	s0 =	sadd.s32 $0x8F2B, s0  }
0x35: {  	[sflag:s0] =	ssyncadd.remote.s32 $0x1  }
0x36: {  	_ =	sfence.sel $0xFFFF  }
0x37: {  	[dreg:$0x0] =	wrdreg $0xFFFFFFFF;
	(pc) =	sbr.abs _section_cstart, $3  }
0x38: {  	[dreg:$0x1] =	wrdreg $0xFFFFFFFF  }
0x39: {  	_ =	task.clear_ibuf [dreg:s7], $0x2FFFF;
	_ =	strace $0x9FFFFFFF  }
0x3a: {  	(tm) =	ssettm $0x7FFFFFFF  }
0x3b: {  	_ =	shalt  }
tec
execute0_lowered:
.L_overlay_start_1:
0x0: {  	(tag) =	ssettag $0x1  }
0x1: {  	s4 =	rddreg [dreg:$0x0]  }
0x2: {  	s0 =	srdreg.scid;
	s2 =	rddreg [dreg:$0x1]  }
0x3: {  	s1 =	stileid.u32;
	s5 =	simm.s32 $0x1;
	s0 =	sshll.u32 s0, $0x4  }
0x4: {  	s7 =	simm.s32 $0x2;
	s11 =	simm.s32 $0x0;
	s3 =	sand.u32 $0x10, s0  }
.Ltmp0:
0x5: {  	p0 =	por $0x0, $0x0;
	s3 =	sor.u32 s1, s3;
	(pc) =	sbr.rel .LBB1_1-.Ltmp0, $4  }
0x6: {  	s8 =	simm.s32 $0x494000;
	s10 =	simm.s32 $0x0;
	s3 =	sshll.u32 s3, $0x7  }
0x7: {  	s0 =	rddreg [dreg:$0x2];
	_ =	strace $0x8000004A;
	s6 =	ssub.s32 $0x92780, s3  }
0x8: {  	s4 =	sadd.s32 $0x12E00, s4;
	[sflag:s5] =	ssyncpa.u1 $0x0;
	s6 =	sshrl.u32 s6, $0xC  }
0x9: {  	[sflag:s7] =	ssyncpa.u1 $0x0;
	s9 =	smov.u32 s3;
	s7 =	sadd.s32 $0x2, s6  }
.LBB1_5:
0xa: {  	s13 =	sadd.s32 $0x1000, s9  }
0xb: {  	p2 =	sgt.s32 s13, $0x927BF  }
0xc: {  	s13 =	smov.u32 @p2 s3;
	p2 =	sne.s32 s10, s7  }
.Ltmp1:
0xd: {  	p1 =	slt.u32 s10, $0x2;
	(pc) =	sbr.rel @!p2 .LBB1_6-.Ltmp1, $4  }
0xe: {  	s12 =	simm.s32 @!p1 $0x2  }
0xf: {  	s14 =	sadd.s32 $0x1, s10;
	_ =	swait.ge @!p1 [sflag:s12], $0x2000  }
0x10: {  	s11 =	smov.u32 s9;
	p0 =	por !p0, !p0;
	[sflag:s12] =	ssyncset.done @!p1 $0x0  }
0x11: {  	s10 =	smov.u32 s14;
	s9 =	smov.u32 s13;
	[sflag:s12] =	ssyncadd.s32 @!p1 $0xFFFFE000  }
.LBB1_1:
0x12: {  	p1 =	sgt.u32 s10, s6  }
0x13: {  	s13 =	smov.u32 s9;
	p2 =	sgt.s32 @!p1 s9, $0x92740  }
0x14: {  	s12 =	sand.u32 @!p1 $0x1FFFFFF, s9;
	s14 =	sshra.s32 @!p1 s9, $0x1F;
	p2 =	por !p2, p1  }
0x15: {  	s15 =	smulhi.u32 @!p1 $0x37EC8ED, s12;
	s14 =	sand.u32 @!p1 s14, s9;
	s13 =	simm.s32 @p2 $0x92740  }
0x16: {  	s13 =	ssub.s32 @!p1 s13, s14  }
0x17: {  	s14 =	sshrl.u32 @!p1 s15, $0xD;
	s13 =	sadd.s32 @!p1 $0xFFF6D8C0, s13  }
0x18: {  	s15 =	sxor.u32 @!p1 $0xFFFFFFFF, s10;
	s14 =	smul.u32 @!p1 $0x927C0, s14;
	s16 =	sshll.u32 @!p1 s13, $0x8  }
0x19: {  	s15 =	sshll.u32 @!p1 s15, $0xD;
	p2 =	sgt.s32 @!p1 s13, $0x7F;
	s13 =	ssub.s32 @!p1 $0x8000, s16  }
0x1a: {  	s12 =	ssub.s32 @!p1 s12, s14;
	p2 =	por !p2, p1;
	s14 =	sand.u32 @!p1 $0x2000, s15  }
0x1b: {  	s15 =	simm.s32 @!p1 $0x40;
	s13 =	sshrl.u32 @!p1 s13, $0x2;
	s12 =	sshll.u32 @!p1 s12, $0x4  }
0x1c: {  	s16 =	simm.s32 @!p1 $0x80;
	s13 =	simm.s32 @!p2 $0x0;
	s12 =	sadd.s32 @!p1 s4, s12  }
0x1d: {  	[tilespmem:s14], [sflag:$0x1] =	stream.strided.gather @!p1 [hbm4b:s12+s15], s13, s16, s15, $0x38;
	[tilespmem:$0x8080] =	vst v63  }
0x1e: {  	p1 =	seq.s32 s10, $0x0  }
0x1f: {  	p2 =	sge.u32 @!p1 s10, s7  }
0x20: {  	p1 =	por p1, p2  }
.Ltmp2:
0x21: {  	_ = 	snop;
	(pc) =	sbr.rel @p1 .LBB1_5-.Ltmp2, $1  }
0x22: {  	_ =	sdelay $0x3  }
0x23: {  	p1 =	sgt.s32 s11, $0x92740;
	s12 =	smov.u32 s11;
	s13 =	sshra.s32 s11, $0x1F  }
0x24: {  	s12 =	simm.s32 @!p1 $0x92740;
	s13 =	sand.u32 s13, s11  }
0x25: {  	s12 =	ssub.s32 s12, s13  }
0x26: {  	s12 =	sadd.s32 $0xFFF6D8C0, s12  }
0x27: {  	s28 =	sshll.u32 s12, $0x8  }
0x28: {  	s13 =	ssub.s32 $0x8000, s28  }
0x29: {  	p1 =	sgt.s32 s12, $0x7F;
	s12 =	sshrl.u32 s13, $0x2  }
0x2a: {  	s13 =	simm.s32 $0x1;
	s12 =	simm.s32 @p1 $0x0  }
0x2b: {  	s13 =	simm.s32 @!p0 $0x0;
	_ =	swait.ge [sflag:s5], s12  }
0x2c: {  	s14 =	sshll.u32 s13, $0xD;
	s12 =	ssub.s32 $0x0, s12;
	[sflag:s5] =	ssyncset.done $0x0  }
0x2d: {  	s16 =	sor.u32 $0x20, s14;
	[sflag:s5] =	ssyncadd.s32 s12  }
0x2e: {  	s29 =	smul.u32 $0x8100, s13;
	v3 =	vld [tilespmem:s16+$0x10]  }
0x2f: {  	s30 =	sand.u32 $0x1, s10;
	v2 =	vld [tilespmem:s16+$0xFFFFFFF0]  }
0x30: {  	s13 =	smul.u32 $0x8100, s30;
	s12 =	sshrl.u32 s29, $0x2;
	v0 =	vld [tilespmem:s16+$0x0]  }
0x31: {  	s14 =	sor.u32 $0x4000, s12;
	v1 =	vld [tilespmem:s16+$0xFFFFFFE0]  }
0x32: {  	s31 =	sshrl.u32 s13, $0x2;
	s13 =	sadd.s32 $0x0, s14  }
0x33: {  	s15 =	simm.s32 $0x4;
	s12 =	sor.u32 $0x4000, s31;
	s16 =	sadd.s32 $0x40, s16;
	[tilespmem:s13+$0x1830 ss:$0x81] =	vst.msk $0xffff, v3  }
.LBB1_3:
0x34: {  	v3 =	vld [tilespmem:s16+$0x10];
	p1 =	sne.s32 s15, $0x1FC;
	[tilespmem:s13+$0x810 ss:$0x81] =	vst.msk $0xffff, v2;
	s17 =	smov.u32 s15;
	s15 =	sadd.s32 $0x4, s15  }
.Ltmp3:
0x35: {  	v2 =	vld [tilespmem:s16+$0xFFFFFFF0];
	[tilespmem:s13+$0x1020 ss:$0x81] =	vst.msk $0xffff, v0;
	(pc) =	sbr.rel @p1 .LBB1_3-.Ltmp3, $4  }
0x36: {  	v0 =	vld [tilespmem:s16+$0x0];
	[tilespmem:s13+$0x0 ss:$0x81] =	vst.msk $0xffff, v1  }
0x37: {  	s13 =	sshra.s32 s17, $0x2;
	v1 =	vld [tilespmem:s16+$0xFFFFFFE0]  }
0x38: {  	s13 =	sadd.s32 s13, s14  }
0x39: {  	s16 =	sadd.s32 $0x40, s16;
	[tilespmem:s13+$0x1830 ss:$0x81] =	vst.msk $0xffff, v3  }
0x3a: {  	s14 =	sshll.u32 s11, $0x3  }
0x3b: {  	s30 =	sand.u32 $0x7F, s11;
	s15 =	sand.u32 $0xFFFFFC00, s14  }
0x3c: {  	s14 =	smulhi.u32 $0xDFAC1F75, s14;
	s11 =	sor.u32 s30, s15  }
0x3d: {  	s15 =	smulhi.u32 $0xDFAC1F75, s11;
	_ =	sdelay $0x1  }
0x3e: {  	s14 =	sshrl.u32 s14, $0x13;
	s15 =	sshrl.u32 s15, $0x13  }
0x3f: {  	s14 =	sand.u32 $0x3F, s14;
	s15 =	smul.u32 $0x92800, s15  }
0x40: {  	s14 =	smul.u32 $0x12500, s14  }
.Ltmp4:
0x41: {  	s11 =	ssub.s32 s11, s15;
	(pc) =	sbr.rel .LBB1_5-.Ltmp4, $4  }
0x42: {  	[tilespmem:s13+$0x810 ss:$0x81] =	vst.msk $0xffff, v2;
	s15 =	sand.u32 $0x7, s11  }
0x43: {  	[tilespmem:s13+$0x1020 ss:$0x81] =	vst.msk $0xffff, v0;
	s14 =	sadd.s32 s2, s14;
	s11 =	sshrl.u32 s11, $0x3;
	s15 =	sshll.u32 s15, $0x12  }
0x44: {  	[tilespmem:s13+$0x0 ss:$0x81] =	vst.msk $0xffff, v1;
	s11 =	sadd.s32 s11, s14;
	s31 =	sor.u32 $0x400, s15  }
0x45: {  	[hbm4b:s11+s31] =	stream.strided.scatter [tilespmem:s12], [sflag:$0x2], $0x2000, s8, s31, $0x20;
	[tilespmem:$0x8080] =	vst v63  }
.LBB1_6:
0x46: {  	_ =	sfence.sel $0x180000  }
0x47: {  	s2 =	simm.s32 $0x1;
	[bflag:$0x0] =	sbarrier.arrive $0xFFFF  }
0x48: {  	s31 =	simm.s32 $0x2;
	[sflag:s2] =	ssyncpa.u1 $0x1  }
0x49: {  	[sflag:s31] =	ssyncpa.u1 $0x1  }
0x4a: {  	p0 =	sne.s32 s1, $0x0;
	_ =	strace $0x9000004A  }
0x4b: {  	s0 =	sadd.s32 @!p0 $0x100000, s0;
	[bflag:$0x2] =	sbarrier.arrive $0xFFFF  }
0x4c: {  	[sflag:s0] =	ssyncadd.tile.s32 @!p0 $0x1;
	_ =	shalt  }
.Lfunc_end1:
_tile_overlayer_lowered:
.L_overlay_start_2:
0x4d: {  	(tag) =	ssettag $0x2  }
0x4e: {  	s0 =	rddreg [dreg:$0x0];
	s2 =	stileid.u32  }
0x4f: {  	s1 =	rddreg [dreg:$0x1];
	p0 =	sne.s32 s2, $0x0  }
0x50: {  	s3 =	rddreg [dreg:$0x2];
	[bflag:$0x3] =	sbarrier.arrive $0xFFFF;
	s2 =	simm.s32 @!p0 $0x1C01  }
0x51: {  	[timem:s3], [sflag:s2] =	dma.local @!p0 [hbm:s0], s1  }
0x52: {  	s0 =	simm.s32 @!p0 $0x1  }
0x53: {  	_ =	swait.ge @!p0 [sflag:s0], s1  }
0x54: {  	s1 =	ssub.s32 @!p0 $0x0, s1;
	[sflag:s0] =	ssyncset.done @!p0 $0x0  }
0x55: {  	[sflag:s0] =	ssyncadd.s32 @!p0 s1  }
0x56: {  	[bflag:$0x3] =	sbarrier.arrive $0xFFFF  }
0x57: {  	_ =	shalt  }

</sc_bundles>
